<compile_context>
chip_gen: v7x
topology: tpu7x:2x2x1
jax: 0.10.2.dev20260603
libtpu: 0.0.44.dev20260713+nightly
codegen_flags: <defaults>
</compile_context>

<pallas_src>
import functools

import jax
import jax.numpy as jnp
from jax import lax
from jax.experimental import pallas as pl
from jax.experimental.pallas import tpu as pltpu
from jax.experimental.pallas import tpu_sc as plsc

NC = 2
NS = 16
L = 16
C = 16


@functools.partial(jax.jit, static_argnames=("batch", "seq_len", "d"))
def _sc_fused_lookup(idx_s, idx_r, idx_d, pe, st, rt, dt, wvec, *, batch, seq_len, d):
    NW = NC * NS
    s_per_w = seq_len // NW
    n_sc = s_per_w // C
    n_stage = n_sc * batch
    groups = d // L

    mesh = plsc.VectorSubcoreMesh(
        core_axis_name="c", subcore_axis_name="s",
        num_cores=NC, num_subcores=NS)

    @functools.partial(
        pl.kernel,
        out_type=jax.ShapeDtypeStruct((batch * seq_len, d), jnp.float32),
        mesh=mesh,
        scratch_types=[
            pltpu.VMEM((batch, n_sc, C), jnp.int32),
            pltpu.VMEM((batch, n_sc, C), jnp.int32),
            pltpu.VMEM((batch, n_sc, C), jnp.int32),
            pltpu.VMEM((C, d), jnp.float32),
            pltpu.VMEM((2, C, d), jnp.float32),
            pltpu.VMEM((2, C, d), jnp.float32),
            pltpu.VMEM((2, C, d), jnp.float32),
            pltpu.VMEM((4, L), jnp.float32),
            pltpu.SemaphoreType.DMA,
            pltpu.SemaphoreType.DMA,
            pltpu.SemaphoreType.DMA,
            pltpu.SemaphoreType.DMA,
            pltpu.SemaphoreType.DMA,
        ],
    )
    def body(sc_hbm, ro_hbm, di_hbm, pe_hbm, st_hbm, rt_hbm, dt_hbm, w_hbm,
             out_hbm, idx_sv, idx_rv, idx_dv, pe_v, g1, g2, g3, w_v,
             sem_g0, sem_g1, sem_o0, sem_o1, sem_pe):
        wid = lax.axis_index("s") * NC + lax.axis_index("c")
        s_base = wid * s_per_w

        pltpu.sync_copy(sc_hbm.at[wid], idx_sv)
        pltpu.sync_copy(ro_hbm.at[wid], idx_rv)
        pltpu.sync_copy(di_hbm.at[wid], idx_dv)
        pltpu.sync_copy(w_hbm, w_v)
        w0 = w_v[0, :]
        w1 = w_v[1, :]
        w2 = w_v[2, :]
        w3 = w_v[3, :]

        sem_g = (sem_g0, sem_g1)
        sem_o = (sem_o0, sem_o1)
        gbufs = ((g1.at[0], g2.at[0], g3.at[0]), (g1.at[1], g2.at[1], g3.at[1]))

        def stage_tb(ls):
            return ls // batch, lax.rem(ls, batch)

        def issue_gathers23(ls, p):
            t, b = stage_tb(ls)
            _, b2, b3 = gbufs[p]
            pltpu.async_copy(rt_hbm.at[idx_rv.at[b, t]], b2, sem_g[p])
            pltpu.async_copy(dt_hbm.at[idx_dv.at[b, t]], b3, sem_g[p])

        def issue_gather1(ls, p):
            t, b = stage_tb(ls)
            pltpu.async_copy(st_hbm.at[idx_sv.at[b, t]], gbufs[p][0], sem_g[p])

        def wait_gathers(ls, p):
            t, b = stage_tb(ls)
            b1, b2, b3 = gbufs[p]
            pltpu.make_async_copy(st_hbm.at[idx_sv.at[b, t]], b1, sem_g[p]).wait()
            pltpu.make_async_copy(rt_hbm.at[idx_rv.at[b, t]], b2, sem_g[p]).wait()
            pltpu.make_async_copy(dt_hbm.at[idx_dv.at[b, t]], b3, sem_g[p]).wait()

        def out_rows(ls):
            t, b = stage_tb(ls)
            return b * seq_len + s_base + t * C

        def issue_out(ls, p):
            pltpu.async_copy(gbufs[p][0], out_hbm.at[pl.ds(out_rows(ls), C)],
                             sem_o[p])

        def wait_out(ls, p):
            pltpu.make_async_copy(gbufs[p][0],
                                  out_hbm.at[pl.ds(out_rows(ls), C)],
                                  sem_o[p]).wait()

        def issue_pe(t):
            pltpu.async_copy(pe_hbm.at[pl.ds(s_base + t * C, C)], pe_v, sem_pe)

        def wait_pe(t):
            pltpu.make_async_copy(pe_hbm.at[pl.ds(s_base + t * C, C)], pe_v,
                                  sem_pe).wait()

        def compute(p):
            b1, b2, b3 = gbufs[p]

            def row(i, carry2):
                def grp(jj, carry3):
                    for u in range(4):
                        sl = pl.ds((jj * 4 + u) * L, L)
                        b1[i, sl] = (pe_v[i, sl] * w0 + b1[i, sl] * w1
                                     + b2[i, sl] * w2 + b3[i, sl] * w3)
                    return carry3
                return lax.fori_loop(0, groups // 4, grp, carry2)

            lax.fori_loop(0, C, row, 0)

        issue_pe(0)
        issue_gathers23(0, 0)
        issue_gather1(0, 0)

        def iteration(k, carry):
            ls0 = 2 * k

            issue_gathers23(ls0 + 1, 1)

            @pl.when(k > 0)
            def _():
                wait_out(ls0 - 1, 1)
            issue_gather1(ls0 + 1, 1)

            @pl.when(lax.rem(ls0, batch) == 0)
            def _():
                wait_pe(ls0 // batch)
            wait_gathers(ls0, 0)
            compute(0)

            @pl.when((lax.rem(ls0, batch) == batch - 1)
                     & (ls0 // batch + 1 < n_sc))
            def _():
                issue_pe(ls0 // batch + 1)
            issue_out(ls0, 0)

            ls1 = ls0 + 1

            @pl.when(k < n_stage // 2 - 1)
            def _():
                issue_gathers23(ls1 + 1, 0)
            wait_out(ls1 - 1, 0)

            @pl.when(k < n_stage // 2 - 1)
            def _():
                issue_gather1(ls1 + 1, 0)

            @pl.when(lax.rem(ls1, batch) == 0)
            def _():
                wait_pe(ls1 // batch)
            wait_gathers(ls1, 1)
            compute(1)

            @pl.when((lax.rem(ls1, batch) == batch - 1)
                     & (ls1 // batch + 1 < n_sc))
            def _():
                issue_pe(ls1 // batch + 1)
            issue_out(ls1, 1)
            return carry

        lax.fori_loop(0, n_stage // 2, iteration, 0)
        wait_out(n_stage - 1, 1)

    return body(idx_s, idx_r, idx_d, pe, st, rt, dt, wvec)


def kernel(positions, scales, rotations, distances, pe, scale_table,
           rotation_table, distance_table, fusion_weights):
    b, s = positions.shape
    d = pe.shape[1]
    NW = NC * NS
    n_sc = s // NW // C
    w = jax.nn.softmax(fusion_weights.astype(jnp.float32), axis=0)
    wvec = jnp.broadcast_to(w[:, None], (4, L)).astype(jnp.float32)
    shape = (b, NW, n_sc, C)
    idx_s = scales.reshape(shape).astype(jnp.int32).transpose(1, 0, 2, 3)
    idx_r = rotations.reshape(shape).astype(jnp.int32).transpose(1, 0, 2, 3)
    idx_d = distances.reshape(shape).astype(jnp.int32).transpose(1, 0, 2, 3)
    out = _sc_fused_lookup(idx_s, idx_r, idx_d, pe, scale_table,
                           rotation_table, distance_table, wvec,
                           batch=b, seq_len=s, d=d)
    return out.reshape(b, s, d)

# --- scband reference (transcript-rebuilt; emitter-appended) ---
"""Pipeline reference for scband-geometry-aware-positional-encoding-16939351015830 (READ-ONLY COPY).

The authoritative reference and input builder live on the scoring server;
editing this copy changes nothing except your own understanding.
"""

import jax, jax.numpy as jnp
import numpy as np
import math

D_MODEL = 1024
MAX_LEN = 5000
B = 4
S = 4096

def _make_pe(max_len, d_model):
    pe = np.zeros((max_len, d_model), dtype=np.float32)
    position = np.arange(0, max_len, dtype=np.float32)[:, None]
    div_term = np.exp(np.arange(0, d_model, 2, dtype=np.float32) * (-math.log(10000.0) / d_model))
    pe[:, 0::2] = np.sin(position * div_term)
    pe[:, 1::2] = np.cos(position * div_term)
    return jnp.asarray(pe)

def setup_inputs(seed: int = 0) -> dict:
    key = jax.random.key(seed)
    k1, k2, k3, k4, k5, k6, k7 = jax.random.split(key, 7)
    positions = jax.random.randint(k1, (B, S), 0, S, dtype=jnp.int64) if jax.config.jax_enable_x64 else jax.random.randint(k1, (B, S), 0, S).astype(jnp.int32)
    scales = jax.random.randint(k2, (B, S), 0, 100)
    rotations = jax.random.randint(k3, (B, S), 0, 360)
    distances = jax.random.randint(k4, (B, S), 0, 1000)
    pe = _make_pe(MAX_LEN, D_MODEL)
    scale_table = jax.random.normal(k5, (100, D_MODEL), dtype=jnp.float32)
    rotation_table = jax.random.normal(k6, (360, D_MODEL), dtype=jnp.float32)
    distance_table = jax.random.normal(k7, (1000, D_MODEL), dtype=jnp.float32)
    fusion_weights = jnp.ones((4,), dtype=jnp.float32) / 4.0
    return {
        "positions": positions,
        "scales": scales,
        "rotations": rotations,
        "distances": distances,
        "pe": pe,
        "scale_table": scale_table,
        "rotation_table": rotation_table,
        "distance_table": distance_table,
        "fusion_weights": fusion_weights,
    }

def reference(positions, scales, rotations, distances, pe, scale_table, rotation_table, distance_table, fusion_weights):
    batch_size, seq_len = positions.shape
    d_model = pe.shape[1]
    pos_enc = jnp.broadcast_to(pe[:seq_len][None, :, :], (batch_size, seq_len, d_model))
    scale_enc = jnp.take(scale_table, scales, axis=0)
    rot_enc = jnp.take(rotation_table, rotations, axis=0)
    dist_enc = jnp.take(distance_table, distances, axis=0)
    weights = jax.nn.softmax(fusion_weights, axis=0)
    geo_aware_encoding = (weights[0] * pos_enc + weights[1] * scale_enc
                          + weights[2] * rot_enc + weights[3] * dist_enc)
    return geo_aware_encoding

if __name__ == "__main__":
    import jax
    _d = setup_inputs()
    print(jax.jit(kernel)(*tuple(_d.values())))

</pallas_src>

<mosaic_0001>
#map = affine_map<(d0, d1) -> (0, 0, 0, 0)>
#map1 = affine_map<(d0, d1) -> (0, 0)>
module attributes {stable_mosaic.version = 14 : i64} {
  func.func @body(%arg0: i32, %arg1: i32, %arg2: memref<32x4x8x16xi32, #tpu.memory_space<hbm>>, %arg3: memref<32x4x8x16xi32, #tpu.memory_space<hbm>>, %arg4: memref<32x4x8x16xi32, #tpu.memory_space<hbm>>, %arg5: memref<5000x1024xf32, #tpu.memory_space<hbm>>, %arg6: memref<100x1024xf32, #tpu.memory_space<hbm>>, %arg7: memref<360x1024xf32, #tpu.memory_space<hbm>>, %arg8: memref<1000x1024xf32, #tpu.memory_space<hbm>>, %arg9: memref<4x16xf32, #tpu.memory_space<hbm>>, %arg10: memref<16384x1024xf32, #tpu.memory_space<hbm>>, %arg11: memref<4x8x16xi32, #tpu.memory_space<vmem>>, %arg12: memref<4x8x16xi32, #tpu.memory_space<vmem>>, %arg13: memref<4x8x16xi32, #tpu.memory_space<vmem>>, %arg14: memref<16x1024xf32, #tpu.memory_space<vmem>>, %arg15: memref<2x16x1024xf32, #tpu.memory_space<vmem>>, %arg16: memref<2x16x1024xf32, #tpu.memory_space<vmem>>, %arg17: memref<2x16x1024xf32, #tpu.memory_space<vmem>>, %arg18: memref<4x16xf32, #tpu.memory_space<vmem>>, %arg19: memref<!tpu.dma_semaphore, #tpu.memory_space<semaphore_mem>>, %arg20: memref<!tpu.dma_semaphore, #tpu.memory_space<semaphore_mem>>, %arg21: memref<!tpu.dma_semaphore, #tpu.memory_space<semaphore_mem>>, %arg22: memref<!tpu.dma_semaphore, #tpu.memory_space<semaphore_mem>>, %arg23: memref<!tpu.dma_semaphore, #tpu.memory_space<semaphore_mem>>) attributes {dimension_semantics = [#tpu.dimension_semantics<core_parallel>, #tpu.dimension_semantics<subcore_parallel>], iteration_bounds = array<i64: 2, 16>, scalar_prefetch = 0 : i64, scratch_operands = 13 : i64, tpu.core_type = #tpu.core_type<sc_vector_subcore>, window_params = [{transform_indices = #map}, {transform_indices = #map}, {transform_indices = #map}, {transform_indices = #map1}, {transform_indices = #map1}, {transform_indices = #map1}, {transform_indices = #map1}, {transform_indices = #map1}, {transform_indices = #map1}]} {
    %mul3A = arith.constant 2 : i32
    %mul3A_0 = arith.muli %arg1, %mul3A : i32
    %add3A = arith.addi %mul3A_0, %arg0 : i32
    %mul3A_1 = arith.constant 128 : i32
    %mul3A_2 = arith.muli %add3A, %mul3A_1 : i32
    "tpu.region"() ({
      %run_scoped3A = tpu.sem_alloc : memref<!tpu.dma_semaphore, #tpu.memory_space<semaphore_mem>>
      %dma_start3A_99 = arith.constant 0 : i32
      %dma_start3A_100 = arith.constant 0 : i32
      %dma_start3A_101 = arith.constant 0 : i32
      %dma_start3A_102 = tpu.memref_slice %arg2[%add3A, %dma_start3A_99, %dma_start3A_100, %dma_start3A_101] : memref<32x4x8x16xi32, #tpu.memory_space<hbm>> -> memref<1x4x8x16xi32, #tpu.memory_space<hbm>>
      %dma_start3A_103 = tpu.memref_squeeze %dma_start3A_102 : memref<1x4x8x16xi32, #tpu.memory_space<hbm>> -> memref<4x8x16xi32, #tpu.memory_space<hbm>>
      %dma_start3A_104 = arith.constant 0 : i32
      %dma_start3A_105 = arith.constant 0 : i32
      %dma_start3A_106 = arith.constant 0 : i32
      %dma_start3A_107 = tpu.memref_slice %arg2[%add3A, %dma_start3A_104, %dma_start3A_105, %dma_start3A_106] : memref<32x4x8x16xi32, #tpu.memory_space<hbm>> -> memref<1x4x8x16xi32, #tpu.memory_space<hbm>>
      %dma_start3A_108 = tpu.memref_squeeze %dma_start3A_107 : memref<1x4x8x16xi32, #tpu.memory_space<hbm>> -> memref<4x8x16xi32, #tpu.memory_space<hbm>>
      tpu.enqueue_dma source(%dma_start3A_108 : memref<4x8x16xi32, #tpu.memory_space<hbm>>) target(%arg11 : memref<4x8x16xi32, #tpu.memory_space<vmem>>) target_semaphore(%run_scoped3A : memref<!tpu.dma_semaphore, #tpu.memory_space<semaphore_mem>>)
      %dma_wait3A_109 = arith.constant 0 : i32
      %dma_wait3A_110 = arith.constant 0 : i32
      %dma_wait3A_111 = arith.constant 0 : i32
      %dma_wait3A_112 = tpu.memref_slice %arg2[%add3A, %dma_wait3A_109, %dma_wait3A_110, %dma_wait3A_111] : memref<32x4x8x16xi32, #tpu.memory_space<hbm>> -> memref<1x4x8x16xi32, #tpu.memory_space<hbm>>
      %dma_wait3A_113 = tpu.memref_squeeze %dma_wait3A_112 : memref<1x4x8x16xi32, #tpu.memory_space<hbm>> -> memref<4x8x16xi32, #tpu.memory_space<hbm>>
      %dma_wait3A_114 = arith.constant 0 : i32
      %dma_wait3A_115 = arith.constant 0 : i32
      %dma_wait3A_116 = arith.constant 0 : i32
      %dma_wait3A_117 = tpu.memref_slice %arg2[%add3A, %dma_wait3A_114, %dma_wait3A_115, %dma_wait3A_116] : memref<32x4x8x16xi32, #tpu.memory_space<hbm>> -> memref<1x4x8x16xi32, #tpu.memory_space<hbm>>
      %dma_wait3A_118 = tpu.memref_squeeze %dma_wait3A_117 : memref<1x4x8x16xi32, #tpu.memory_space<hbm>> -> memref<4x8x16xi32, #tpu.memory_space<hbm>>
      tpu.wait_dma2 semaphore(%run_scoped3A : memref<!tpu.dma_semaphore, #tpu.memory_space<semaphore_mem>>) src(%dma_wait3A_118 : memref<4x8x16xi32, #tpu.memory_space<hbm>>) dst(%arg11 : memref<4x8x16xi32, #tpu.memory_space<vmem>>)
      tpu.yield
    }) : () -> ()
    "tpu.region"() ({
      %run_scoped3A = tpu.sem_alloc : memref<!tpu.dma_semaphore, #tpu.memory_space<semaphore_mem>>
      %dma_start3A_99 = arith.constant 0 : i32
      %dma_start3A_100 = arith.constant 0 : i32
      %dma_start3A_101 = arith.constant 0 : i32
      %dma_start3A_102 = tpu.memref_slice %arg3[%add3A, %dma_start3A_99, %dma_start3A_100, %dma_start3A_101] : memref<32x4x8x16xi32, #tpu.memory_space<hbm>> -> memref<1x4x8x16xi32, #tpu.memory_space<hbm>>
      %dma_start3A_103 = tpu.memref_squeeze %dma_start3A_102 : memref<1x4x8x16xi32, #tpu.memory_space<hbm>> -> memref<4x8x16xi32, #tpu.memory_space<hbm>>
      %dma_start3A_104 = arith.constant 0 : i32
      %dma_start3A_105 = arith.constant 0 : i32
      %dma_start3A_106 = arith.constant 0 : i32
      %dma_start3A_107 = tpu.memref_slice %arg3[%add3A, %dma_start3A_104, %dma_start3A_105, %dma_start3A_106] : memref<32x4x8x16xi32, #tpu.memory_space<hbm>> -> memref<1x4x8x16xi32, #tpu.memory_space<hbm>>
      %dma_start3A_108 = tpu.memref_squeeze %dma_start3A_107 : memref<1x4x8x16xi32, #tpu.memory_space<hbm>> -> memref<4x8x16xi32, #tpu.memory_space<hbm>>
      tpu.enqueue_dma source(%dma_start3A_108 : memref<4x8x16xi32, #tpu.memory_space<hbm>>) target(%arg12 : memref<4x8x16xi32, #tpu.memory_space<vmem>>) target_semaphore(%run_scoped3A : memref<!tpu.dma_semaphore, #tpu.memory_space<semaphore_mem>>)
      %dma_wait3A_109 = arith.constant 0 : i32
      %dma_wait3A_110 = arith.constant 0 : i32
      %dma_wait3A_111 = arith.constant 0 : i32
      %dma_wait3A_112 = tpu.memref_slice %arg3[%add3A, %dma_wait3A_109, %dma_wait3A_110, %dma_wait3A_111] : memref<32x4x8x16xi32, #tpu.memory_space<hbm>> -> memref<1x4x8x16xi32, #tpu.memory_space<hbm>>
      %dma_wait3A_113 = tpu.memref_squeeze %dma_wait3A_112 : memref<1x4x8x16xi32, #tpu.memory_space<hbm>> -> memref<4x8x16xi32, #tpu.memory_space<hbm>>
      %dma_wait3A_114 = arith.constant 0 : i32
      %dma_wait3A_115 = arith.constant 0 : i32
      %dma_wait3A_116 = arith.constant 0 : i32
      %dma_wait3A_117 = tpu.memref_slice %arg3[%add3A, %dma_wait3A_114, %dma_wait3A_115, %dma_wait3A_116] : memref<32x4x8x16xi32, #tpu.memory_space<hbm>> -> memref<1x4x8x16xi32, #tpu.memory_space<hbm>>
      %dma_wait3A_118 = tpu.memref_squeeze %dma_wait3A_117 : memref<1x4x8x16xi32, #tpu.memory_space<hbm>> -> memref<4x8x16xi32, #tpu.memory_space<hbm>>
      tpu.wait_dma2 semaphore(%run_scoped3A : memref<!tpu.dma_semaphore, #tpu.memory_space<semaphore_mem>>) src(%dma_wait3A_118 : memref<4x8x16xi32, #tpu.memory_space<hbm>>) dst(%arg12 : memref<4x8x16xi32, #tpu.memory_space<vmem>>)
      tpu.yield
    }) : () -> ()
    "tpu.region"() ({
      %run_scoped3A = tpu.sem_alloc : memref<!tpu.dma_semaphore, #tpu.memory_space<semaphore_mem>>
      %dma_start3A_99 = arith.constant 0 : i32
      %dma_start3A_100 = arith.constant 0 : i32
      %dma_start3A_101 = arith.constant 0 : i32
      %dma_start3A_102 = tpu.memref_slice %arg4[%add3A, %dma_start3A_99, %dma_start3A_100, %dma_start3A_101] : memref<32x4x8x16xi32, #tpu.memory_space<hbm>> -> memref<1x4x8x16xi32, #tpu.memory_space<hbm>>
      %dma_start3A_103 = tpu.memref_squeeze %dma_start3A_102 : memref<1x4x8x16xi32, #tpu.memory_space<hbm>> -> memref<4x8x16xi32, #tpu.memory_space<hbm>>
      %dma_start3A_104 = arith.constant 0 : i32
      %dma_start3A_105 = arith.constant 0 : i32
      %dma_start3A_106 = arith.constant 0 : i32
      %dma_start3A_107 = tpu.memref_slice %arg4[%add3A, %dma_start3A_104, %dma_start3A_105, %dma_start3A_106] : memref<32x4x8x16xi32, #tpu.memory_space<hbm>> -> memref<1x4x8x16xi32, #tpu.memory_space<hbm>>
      %dma_start3A_108 = tpu.memref_squeeze %dma_start3A_107 : memref<1x4x8x16xi32, #tpu.memory_space<hbm>> -> memref<4x8x16xi32, #tpu.memory_space<hbm>>
      tpu.enqueue_dma source(%dma_start3A_108 : memref<4x8x16xi32, #tpu.memory_space<hbm>>) target(%arg13 : memref<4x8x16xi32, #tpu.memory_space<vmem>>) target_semaphore(%run_scoped3A : memref<!tpu.dma_semaphore, #tpu.memory_space<semaphore_mem>>)
      %dma_wait3A_109 = arith.constant 0 : i32
      %dma_wait3A_110 = arith.constant 0 : i32
      %dma_wait3A_111 = arith.constant 0 : i32
      %dma_wait3A_112 = tpu.memref_slice %arg4[%add3A, %dma_wait3A_109, %dma_wait3A_110, %dma_wait3A_111] : memref<32x4x8x16xi32, #tpu.memory_space<hbm>> -> memref<1x4x8x16xi32, #tpu.memory_space<hbm>>
      %dma_wait3A_113 = tpu.memref_squeeze %dma_wait3A_112 : memref<1x4x8x16xi32, #tpu.memory_space<hbm>> -> memref<4x8x16xi32, #tpu.memory_space<hbm>>
      %dma_wait3A_114 = arith.constant 0 : i32
      %dma_wait3A_115 = arith.constant 0 : i32
      %dma_wait3A_116 = arith.constant 0 : i32
      %dma_wait3A_117 = tpu.memref_slice %arg4[%add3A, %dma_wait3A_114, %dma_wait3A_115, %dma_wait3A_116] : memref<32x4x8x16xi32, #tpu.memory_space<hbm>> -> memref<1x4x8x16xi32, #tpu.memory_space<hbm>>
      %dma_wait3A_118 = tpu.memref_squeeze %dma_wait3A_117 : memref<1x4x8x16xi32, #tpu.memory_space<hbm>> -> memref<4x8x16xi32, #tpu.memory_space<hbm>>
      tpu.wait_dma2 semaphore(%run_scoped3A : memref<!tpu.dma_semaphore, #tpu.memory_space<semaphore_mem>>) src(%dma_wait3A_118 : memref<4x8x16xi32, #tpu.memory_space<hbm>>) dst(%arg13 : memref<4x8x16xi32, #tpu.memory_space<vmem>>)
      tpu.yield
    }) : () -> ()
    "tpu.region"() ({
      %run_scoped3A = tpu.sem_alloc : memref<!tpu.dma_semaphore, #tpu.memory_space<semaphore_mem>>
      tpu.enqueue_dma source(%arg9 : memref<4x16xf32, #tpu.memory_space<hbm>>) target(%arg18 : memref<4x16xf32, #tpu.memory_space<vmem>>) target_semaphore(%run_scoped3A : memref<!tpu.dma_semaphore, #tpu.memory_space<semaphore_mem>>)
      tpu.wait_dma2 semaphore(%run_scoped3A : memref<!tpu.dma_semaphore, #tpu.memory_space<semaphore_mem>>) src(%arg9 : memref<4x16xf32, #tpu.memory_space<hbm>>) dst(%arg18 : memref<4x16xf32, #tpu.memory_space<vmem>>)
      tpu.yield
    }) : () -> ()
    %get3A = arith.constant 0 : i32
    %get3A_3 = arith.index_cast %get3A : i32 to index
    %get3A_4 = arith.constant 0 : index
    %get3A_5 = tpu.vector_load %arg18[%get3A_3, %get3A_4] {strides = array<i32>} : memref<4x16xf32, #tpu.memory_space<vmem>>, vector<1x16xf32>,
    %get3A_6 = vector.shape_cast %get3A_5 : vector<1x16xf32> to vector<16xf32>
    %get3A_7 = arith.constant 1 : i32
    %get3A_8 = arith.index_cast %get3A_7 : i32 to index
    %get3A_9 = arith.constant 0 : index
    %get3A_10 = tpu.vector_load %arg18[%get3A_8, %get3A_9] {strides = array<i32>} : memref<4x16xf32, #tpu.memory_space<vmem>>, vector<1x16xf32>,
    %get3A_11 = vector.shape_cast %get3A_10 : vector<1x16xf32> to vector<16xf32>
    %get3A_12 = arith.constant 2 : i32
    %get3A_13 = arith.index_cast %get3A_12 : i32 to index
    %get3A_14 = arith.constant 0 : index
    %get3A_15 = tpu.vector_load %arg18[%get3A_13, %get3A_14] {strides = array<i32>} : memref<4x16xf32, #tpu.memory_space<vmem>>, vector<1x16xf32>,
    %get3A_16 = vector.shape_cast %get3A_15 : vector<1x16xf32> to vector<16xf32>
    %get3A_17 = arith.constant 3 : i32
    %get3A_18 = arith.index_cast %get3A_17 : i32 to index
    %get3A_19 = arith.constant 0 : index
    %get3A_20 = tpu.vector_load %arg18[%get3A_18, %get3A_19] {strides = array<i32>} : memref<4x16xf32, #tpu.memory_space<vmem>>, vector<1x16xf32>,
    %get3A_21 = vector.shape_cast %get3A_20 : vector<1x16xf32> to vector<16xf32>
    %add3A_22 = arith.constant 0 : i32
    %add3A_23 = arith.addi %mul3A_2, %add3A_22 : i32
    %dma_start3A = arith.constant 0 : i32
    %dma_start3A_24 = tpu.memref_slice %arg5[%add3A_23, %dma_start3A] : memref<5000x1024xf32, #tpu.memory_space<hbm>> -> memref<16x1024xf32, #tpu.memory_space<hbm>>
    %dma_start3A_25 = arith.constant 0 : i32
    %dma_start3A_26 = tpu.memref_slice %arg5[%add3A_23, %dma_start3A_25] : memref<5000x1024xf32, #tpu.memory_space<hbm>> -> memref<16x1024xf32, #tpu.memory_space<hbm>>
    tpu.enqueue_dma source(%dma_start3A_26 : memref<16x1024xf32, #tpu.memory_space<hbm>>) target(%arg14 : memref<16x1024xf32, #tpu.memory_space<vmem>>) target_semaphore(%arg23 : memref<!tpu.dma_semaphore, #tpu.memory_space<semaphore_mem>>)
    %rem3A = arith.constant 0 : i32
    %rem3A_27 = arith.constant 4 : i32
    %rem3A_28 = arith.remsi %rem3A, %rem3A_27 : i32
    %dma_start3A_29 = arith.constant 0 : i32
    %dma_start3A_30 = arith.constant 0 : i32
    %dma_start3A_31 = arith.constant 0 : i32
    %dma_start3A_32 = arith.constant 0 : i32
    %dma_start3A_33 = tpu.memref_slice %arg16[%dma_start3A_30, %dma_start3A_31, %dma_start3A_32] : memref<2x16x1024xf32, #tpu.memory_space<vmem>> -> memref<1x16x1024xf32, #tpu.memory_space<vmem>>
    %dma_start3A_34 = tpu.memref_squeeze %dma_start3A_33 : memref<1x16x1024xf32, #tpu.memory_space<vmem>> -> memref<16x1024xf32, #tpu.memory_space<vmem>>
    %dma_start3A_35 = arith.constant 0 : i32
    %dma_start3A_36 = tpu.memref_slice %arg12[%rem3A_28, %dma_start3A_29, %dma_start3A_35] : memref<4x8x16xi32, #tpu.memory_space<vmem>> -> memref<1x1x16xi32, #tpu.memory_space<vmem>>
    %dma_start3A_37 = tpu.memref_squeeze %dma_start3A_36 : memref<1x1x16xi32, #tpu.memory_space<vmem>> -> memref<16xi32, #tpu.memory_space<vmem>>
    %dma_start3A_38 = arith.constant 0 : i32
    %dma_start3A_39 = arith.constant 0 : i32
    %dma_start3A_40 = tpu.memref_slice %arg7[%dma_start3A_38, %dma_start3A_39] : memref<360x1024xf32, #tpu.memory_space<hbm>> -> memref<360x1024xf32, #tpu.memory_space<hbm>>
    tpu.enqueue_indirect_dma source(%dma_start3A_40 : memref<360x1024xf32, #tpu.memory_space<hbm>>) target(%dma_start3A_34 : memref<16x1024xf32, #tpu.memory_space<vmem>>) offsets(%dma_start3A_37 : memref<16xi32, #tpu.memory_space<vmem>>) semaphore(%arg19 : memref<!tpu.dma_semaphore, #tpu.memory_space<semaphore_mem>>)
    %dma_start3A_41 = arith.constant 0 : i32
    %dma_start3A_42 = arith.constant 0 : i32
    %dma_start3A_43 = arith.constant 0 : i32
    %dma_start3A_44 = arith.constant 0 : i32
    %dma_start3A_45 = tpu.memref_slice %arg17[%dma_start3A_42, %dma_start3A_43, %dma_start3A_44] : memref<2x16x1024xf32, #tpu.memory_space<vmem>> -> memref<1x16x1024xf32, #tpu.memory_space<vmem>>
    %dma_start3A_46 = tpu.memref_squeeze %dma_start3A_45 : memref<1x16x1024xf32, #tpu.memory_space<vmem>> -> memref<16x1024xf32, #tpu.memory_space<vmem>>
    %dma_start3A_47 = arith.constant 0 : i32
    %dma_start3A_48 = tpu.memref_slice %arg13[%rem3A_28, %dma_start3A_41, %dma_start3A_47] : memref<4x8x16xi32, #tpu.memory_space<vmem>> -> memref<1x1x16xi32, #tpu.memory_space<vmem>>
    %dma_start3A_49 = tpu.memref_squeeze %dma_start3A_48 : memref<1x1x16xi32, #tpu.memory_space<vmem>> -> memref<16xi32, #tpu.memory_space<vmem>>
    %dma_start3A_50 = arith.constant 0 : i32
    %dma_start3A_51 = arith.constant 0 : i32
    %dma_start3A_52 = tpu.memref_slice %arg8[%dma_start3A_50, %dma_start3A_51] : memref<1000x1024xf32, #tpu.memory_space<hbm>> -> memref<1000x1024xf32, #tpu.memory_space<hbm>>
    tpu.enqueue_indirect_dma source(%dma_start3A_52 : memref<1000x1024xf32, #tpu.memory_space<hbm>>) target(%dma_start3A_46 : memref<16x1024xf32, #tpu.memory_space<vmem>>) offsets(%dma_start3A_49 : memref<16xi32, #tpu.memory_space<vmem>>) semaphore(%arg19 : memref<!tpu.dma_semaphore, #tpu.memory_space<semaphore_mem>>)
    %rem3A_53 = arith.constant 0 : i32
    %rem3A_54 = arith.constant 4 : i32
    %rem3A_55 = arith.remsi %rem3A_53, %rem3A_54 : i32
    %dma_start3A_56 = arith.constant 0 : i32
    %dma_start3A_57 = arith.constant 0 : i32
    %dma_start3A_58 = arith.constant 0 : i32
    %dma_start3A_59 = arith.constant 0 : i32
    %dma_start3A_60 = tpu.memref_slice %arg15[%dma_start3A_57, %dma_start3A_58, %dma_start3A_59] : memref<2x16x1024xf32, #tpu.memory_space<vmem>> -> memref<1x16x1024xf32, #tpu.memory_space<vmem>>
    %dma_start3A_61 = tpu.memref_squeeze %dma_start3A_60 : memref<1x16x1024xf32, #tpu.memory_space<vmem>> -> memref<16x1024xf32, #tpu.memory_space<vmem>>
    %dma_start3A_62 = arith.constant 0 : i32
    %dma_start3A_63 = tpu.memref_slice %arg11[%rem3A_55, %dma_start3A_56, %dma_start3A_62] : memref<4x8x16xi32, #tpu.memory_space<vmem>> -> memref<1x1x16xi32, #tpu.memory_space<vmem>>
    %dma_start3A_64 = tpu.memref_squeeze %dma_start3A_63 : memref<1x1x16xi32, #tpu.memory_space<vmem>> -> memref<16xi32, #tpu.memory_space<vmem>>
    %dma_start3A_65 = arith.constant 0 : i32
    %dma_start3A_66 = arith.constant 0 : i32
    %dma_start3A_67 = tpu.memref_slice %arg6[%dma_start3A_65, %dma_start3A_66] : memref<100x1024xf32, #tpu.memory_space<hbm>> -> memref<100x1024xf32, #tpu.memory_space<hbm>>
    tpu.enqueue_indirect_dma source(%dma_start3A_67 : memref<100x1024xf32, #tpu.memory_space<hbm>>) target(%dma_start3A_61 : memref<16x1024xf32, #tpu.memory_space<vmem>>) offsets(%dma_start3A_64 : memref<16xi32, #tpu.memory_space<vmem>>) semaphore(%arg19 : memref<!tpu.dma_semaphore, #tpu.memory_space<semaphore_mem>>)
    %scan3A = arith.constant 0 : i32
    %scan3A_68 = arith.constant 1 : i32
    %scan3A_69 = arith.constant 1 : i32
    %scan3A_70 = arith.constant 1 : i32
    %scan3A_71 = arith.constant 0 : i32
    %scan3A_72 = arith.constant 0 : i32
    %scan3A_73 = arith.constant 0 : i32
    %scan3A_74 = arith.constant 0 : i32
    %scan3A_75 = arith.constant 16 : i32
    %scan3A_76 = arith.addi %scan3A_74, %scan3A_75 : i32
    %scan3A_77 = arith.constant 1 : i32
    scf.for %scan3A_99 = %scan3A_74 to %scan3A_76 step %scan3A_77  : i32 {
      %mul3A_100 = arith.constant 2 : i32
      %mul3A_101 = arith.muli %mul3A_100, %scan3A_99 : i32
      %add3A_102 = arith.constant 1 : i32
      %add3A_103 = arith.addi %mul3A_101, %add3A_102 : i32
      %jit3A = arith.constant 4 : i32
      %div3A = arith.divsi %add3A_103, %jit3A : i32
      %sign3A = arith.constant 0 : i32
      %sign3A_104 = arith.cmpi sgt, %add3A_103, %sign3A : i32
      %sign3A_105 = arith.extui %sign3A_104 : i1 to i32
      %sign3A_106 = arith.constant 0 : i32
      %sign3A_107 = arith.cmpi slt, %add3A_103, %sign3A_106 : i32
      %sign3A_108 = arith.extui %sign3A_107 : i1 to i32
      %sign3A_109 = arith.subi %sign3A_105, %sign3A_108 : i32
      %sign3A_110 = arith.constant 0 : i32
      %sign3A_111 = arith.cmpi sgt, %jit3A, %sign3A_110 : i32
      %sign3A_112 = arith.extui %sign3A_111 : i1 to i32
      %sign3A_113 = arith.constant 0 : i32
      %sign3A_114 = arith.cmpi slt, %jit3A, %sign3A_113 : i32
      %sign3A_115 = arith.extui %sign3A_114 : i1 to i32
      %sign3A_116 = arith.subi %sign3A_112, %sign3A_115 : i32
      %ne3A = arith.cmpi ne, %sign3A_109, %sign3A_116 : i32
      %rem3A_117 = arith.remsi %add3A_103, %jit3A : i32
      %ne3A_118 = arith.constant 0 : i32
      %ne3A_119 = arith.cmpi ne, %rem3A_117, %ne3A_118 : i32
      %and3A = arith.andi %ne3A, %ne3A_119 : i1
      %sub3A = arith.constant 1 : i32
      %sub3A_120 = arith.subi %div3A, %sub3A : i32
      %select_n3A = arith.select %and3A, %sub3A_120, %div3A : i32
      %rem3A_121 = arith.constant 4 : i32
      %rem3A_122 = arith.remsi %add3A_103, %rem3A_121 : i32
      %dma_start3A_123 = arith.constant 0 : i32
      %dma_start3A_124 = arith.constant 0 : i32
      %dma_start3A_125 = tpu.memref_slice %arg16[%scan3A_68, %dma_start3A_123, %dma_start3A_124] : memref<2x16x1024xf32, #tpu.memory_space<vmem>> -> memref<1x16x1024xf32, #tpu.memory_space<vmem>>
      %dma_start3A_126 = tpu.memref_squeeze %dma_start3A_125 : memref<1x16x1024xf32, #tpu.memory_space<vmem>> -> memref<16x1024xf32, #tpu.memory_space<vmem>>
      %dma_start3A_127 = arith.constant 0 : i32
      %dma_start3A_128 = tpu.memref_slice %arg12[%rem3A_122, %select_n3A, %dma_start3A_127] : memref<4x8x16xi32, #tpu.memory_space<vmem>> -> memref<1x1x16xi32, #tpu.memory_space<vmem>>
      %dma_start3A_129 = tpu.memref_squeeze %dma_start3A_128 : memref<1x1x16xi32, #tpu.memory_space<vmem>> -> memref<16xi32, #tpu.memory_space<vmem>>
      %dma_start3A_130 = arith.constant 0 : i32
      %dma_start3A_131 = arith.constant 0 : i32
      %dma_start3A_132 = tpu.memref_slice %arg7[%dma_start3A_130, %dma_start3A_131] : memref<360x1024xf32, #tpu.memory_space<hbm>> -> memref<360x1024xf32, #tpu.memory_space<hbm>>
      tpu.enqueue_indirect_dma source(%dma_start3A_132 : memref<360x1024xf32, #tpu.memory_space<hbm>>) target(%dma_start3A_126 : memref<16x1024xf32, #tpu.memory_space<vmem>>) offsets(%dma_start3A_129 : memref<16xi32, #tpu.memory_space<vmem>>) semaphore(%arg20 : memref<!tpu.dma_semaphore, #tpu.memory_space<semaphore_mem>>)
      %dma_start3A_133 = arith.constant 0 : i32
      %dma_start3A_134 = arith.constant 0 : i32
      %dma_start3A_135 = tpu.memref_slice %arg17[%scan3A_69, %dma_start3A_133, %dma_start3A_134] : memref<2x16x1024xf32, #tpu.memory_space<vmem>> -> memref<1x16x1024xf32, #tpu.memory_space<vmem>>
      %dma_start3A_136 = tpu.memref_squeeze %dma_start3A_135 : memref<1x16x1024xf32, #tpu.memory_space<vmem>> -> memref<16x1024xf32, #tpu.memory_space<vmem>>
      %dma_start3A_137 = arith.constant 0 : i32
      %dma_start3A_138 = tpu.memref_slice %arg13[%rem3A_122, %select_n3A, %dma_start3A_137] : memref<4x8x16xi32, #tpu.memory_space<vmem>> -> memref<1x1x16xi32, #tpu.memory_space<vmem>>
      %dma_start3A_139 = tpu.memref_squeeze %dma_start3A_138 : memref<1x1x16xi32, #tpu.memory_space<vmem>> -> memref<16xi32, #tpu.memory_space<vmem>>
      %dma_start3A_140 = arith.constant 0 : i32
      %dma_start3A_141 = arith.constant 0 : i32
      %dma_start3A_142 = tpu.memref_slice %arg8[%dma_start3A_140, %dma_start3A_141] : memref<1000x1024xf32, #tpu.memory_space<hbm>> -> memref<1000x1024xf32, #tpu.memory_space<hbm>>
      tpu.enqueue_indirect_dma source(%dma_start3A_142 : memref<1000x1024xf32, #tpu.memory_space<hbm>>) target(%dma_start3A_136 : memref<16x1024xf32, #tpu.memory_space<vmem>>) offsets(%dma_start3A_139 : memref<16xi32, #tpu.memory_space<vmem>>) semaphore(%arg20 : memref<!tpu.dma_semaphore, #tpu.memory_space<semaphore_mem>>)
      %gt3A = arith.constant 0 : i32
      %gt3A_143 = arith.cmpi sgt, %scan3A_99, %gt3A : i32
      %convert_element_type3A = arith.extui %gt3A_143 : i1 to i32
      %cond3A = arith.constant 0 : i32
      %cond3A_144 = arith.cmpi ne, %convert_element_type3A, %cond3A : i32
      scf.if %cond3A_144 {
        %sub3A_537 = arith.constant 1 : i32
        %sub3A_538 = arith.subi %mul3A_101, %sub3A_537 : i32
        %jit3A_539 = arith.constant 4 : i32
        %div3A_540 = arith.divsi %sub3A_538, %jit3A_539 : i32
        %sign3A_541 = arith.constant 0 : i32
        %sign3A_542 = arith.cmpi sgt, %sub3A_538, %sign3A_541 : i32
        %sign3A_543 = arith.extui %sign3A_542 : i1 to i32
        %sign3A_544 = arith.constant 0 : i32
        %sign3A_545 = arith.cmpi slt, %sub3A_538, %sign3A_544 : i32
        %sign3A_546 = arith.extui %sign3A_545 : i1 to i32
        %sign3A_547 = arith.subi %sign3A_543, %sign3A_546 : i32
        %sign3A_548 = arith.constant 0 : i32
        %sign3A_549 = arith.cmpi sgt, %jit3A_539, %sign3A_548 : i32
        %sign3A_550 = arith.extui %sign3A_549 : i1 to i32
        %sign3A_551 = arith.constant 0 : i32
        %sign3A_552 = arith.cmpi slt, %jit3A_539, %sign3A_551 : i32
        %sign3A_553 = arith.extui %sign3A_552 : i1 to i32
        %sign3A_554 = arith.subi %sign3A_550, %sign3A_553 : i32
        %ne3A_555 = arith.cmpi ne, %sign3A_547, %sign3A_554 : i32
        %rem3A_556 = arith.remsi %sub3A_538, %jit3A_539 : i32
        %ne3A_557 = arith.constant 0 : i32
        %ne3A_558 = arith.cmpi ne, %rem3A_556, %ne3A_557 : i32
        %and3A_559 = arith.andi %ne3A_555, %ne3A_558 : i1
        %sub3A_560 = arith.constant 1 : i32
        %sub3A_561 = arith.subi %div3A_540, %sub3A_560 : i32
        %select_n3A_562 = arith.select %and3A_559, %sub3A_561, %div3A_540 : i32
        %rem3A_563 = arith.constant 4 : i32
        %rem3A_564 = arith.remsi %sub3A_538, %rem3A_563 : i32
        %mul3A_565 = arith.constant 4096 : i32
        %mul3A_566 = arith.muli %rem3A_564, %mul3A_565 : i32
        %add3A_567 = arith.addi %mul3A_566, %mul3A_2 : i32
        %mul3A_568 = arith.constant 16 : i32
        %mul3A_569 = arith.muli %select_n3A_562, %mul3A_568 : i32
        %add3A_570 = arith.addi %add3A_567, %mul3A_569 : i32
        %dma_wait3A_571 = arith.constant 0 : i32
        %dma_wait3A_572 = arith.constant 0 : i32
        %dma_wait3A_573 = tpu.memref_slice %arg15[%scan3A_70, %dma_wait3A_571, %dma_wait3A_572] : memref<2x16x1024xf32, #tpu.memory_space<vmem>> -> memref<1x16x1024xf32, #tpu.memory_space<vmem>>
        %dma_wait3A_574 = tpu.memref_squeeze %dma_wait3A_573 : memref<1x16x1024xf32, #tpu.memory_space<vmem>> -> memref<16x1024xf32, #tpu.memory_space<vmem>>
        %dma_wait3A_575 = arith.constant 0 : i32
        %dma_wait3A_576 = tpu.memref_slice %arg10[%add3A_570, %dma_wait3A_575] : memref<16384x1024xf32, #tpu.memory_space<hbm>> -> memref<16x1024xf32, #tpu.memory_space<hbm>>
        %dma_wait3A_577 = arith.constant 0 : i32
        %dma_wait3A_578 = tpu.memref_slice %arg10[%add3A_570, %dma_wait3A_577] : memref<16384x1024xf32, #tpu.memory_space<hbm>> -> memref<16x1024xf32, #tpu.memory_space<hbm>>
        %dma_wait3A_579 = arith.constant 0 : i32
        %dma_wait3A_580 = arith.constant 0 : i32
        %dma_wait3A_581 = tpu.memref_slice %arg15[%scan3A_70, %dma_wait3A_579, %dma_wait3A_580] : memref<2x16x1024xf32, #tpu.memory_space<vmem>> -> memref<1x16x1024xf32, #tpu.memory_space<vmem>>
        %dma_wait3A_582 = tpu.memref_squeeze %dma_wait3A_581 : memref<1x16x1024xf32, #tpu.memory_space<vmem>> -> memref<16x1024xf32, #tpu.memory_space<vmem>>
        tpu.wait_dma2 semaphore(%arg22 : memref<!tpu.dma_semaphore, #tpu.memory_space<semaphore_mem>>) src(%dma_wait3A_582 : memref<16x1024xf32, #tpu.memory_space<vmem>>) dst(%dma_wait3A_578 : memref<16x1024xf32, #tpu.memory_space<hbm>>)
      } else {
      }
      %add3A_145 = arith.constant 1 : i32
      %add3A_146 = arith.addi %mul3A_101, %add3A_145 : i32
      %jit3A_147 = arith.constant 4 : i32
      %div3A_148 = arith.divsi %add3A_146, %jit3A_147 : i32
      %sign3A_149 = arith.constant 0 : i32
      %sign3A_150 = arith.cmpi sgt, %add3A_146, %sign3A_149 : i32
      %sign3A_151 = arith.extui %sign3A_150 : i1 to i32
      %sign3A_152 = arith.constant 0 : i32
      %sign3A_153 = arith.cmpi slt, %add3A_146, %sign3A_152 : i32
      %sign3A_154 = arith.extui %sign3A_153 : i1 to i32
      %sign3A_155 = arith.subi %sign3A_151, %sign3A_154 : i32
      %sign3A_156 = arith.constant 0 : i32
      %sign3A_157 = arith.cmpi sgt, %jit3A_147, %sign3A_156 : i32
      %sign3A_158 = arith.extui %sign3A_157 : i1 to i32
      %sign3A_159 = arith.constant 0 : i32
      %sign3A_160 = arith.cmpi slt, %jit3A_147, %sign3A_159 : i32
      %sign3A_161 = arith.extui %sign3A_160 : i1 to i32
      %sign3A_162 = arith.subi %sign3A_158, %sign3A_161 : i32
      %ne3A_163 = arith.cmpi ne, %sign3A_155, %sign3A_162 : i32
      %rem3A_164 = arith.remsi %add3A_146, %jit3A_147 : i32
      %ne3A_165 = arith.constant 0 : i32
      %ne3A_166 = arith.cmpi ne, %rem3A_164, %ne3A_165 : i32
      %and3A_167 = arith.andi %ne3A_163, %ne3A_166 : i1
      %sub3A_168 = arith.constant 1 : i32
      %sub3A_169 = arith.subi %div3A_148, %sub3A_168 : i32
      %select_n3A_170 = arith.select %and3A_167, %sub3A_169, %div3A_148 : i32
      %rem3A_171 = arith.constant 4 : i32
      %rem3A_172 = arith.remsi %add3A_146, %rem3A_171 : i32
      %dma_start3A_173 = arith.constant 0 : i32
      %dma_start3A_174 = arith.constant 0 : i32
      %dma_start3A_175 = tpu.memref_slice %arg15[%scan3A_70, %dma_start3A_173, %dma_start3A_174] : memref<2x16x1024xf32, #tpu.memory_space<vmem>> -> memref<1x16x1024xf32, #tpu.memory_space<vmem>>
      %dma_start3A_176 = tpu.memref_squeeze %dma_start3A_175 : memref<1x16x1024xf32, #tpu.memory_space<vmem>> -> memref<16x1024xf32, #tpu.memory_space<vmem>>
      %dma_start3A_177 = arith.constant 0 : i32
      %dma_start3A_178 = tpu.memref_slice %arg11[%rem3A_172, %select_n3A_170, %dma_start3A_177] : memref<4x8x16xi32, #tpu.memory_space<vmem>> -> memref<1x1x16xi32, #tpu.memory_space<vmem>>
      %dma_start3A_179 = tpu.memref_squeeze %dma_start3A_178 : memref<1x1x16xi32, #tpu.memory_space<vmem>> -> memref<16xi32, #tpu.memory_space<vmem>>
      %dma_start3A_180 = arith.constant 0 : i32
      %dma_start3A_181 = arith.constant 0 : i32
      %dma_start3A_182 = tpu.memref_slice %arg6[%dma_start3A_180, %dma_start3A_181] : memref<100x1024xf32, #tpu.memory_space<hbm>> -> memref<100x1024xf32, #tpu.memory_space<hbm>>
      tpu.enqueue_indirect_dma source(%dma_start3A_182 : memref<100x1024xf32, #tpu.memory_space<hbm>>) target(%dma_start3A_176 : memref<16x1024xf32, #tpu.memory_space<vmem>>) offsets(%dma_start3A_179 : memref<16xi32, #tpu.memory_space<vmem>>) semaphore(%arg20 : memref<!tpu.dma_semaphore, #tpu.memory_space<semaphore_mem>>)
      %rem3A_183 = arith.constant 4 : i32
      %rem3A_184 = arith.remsi %mul3A_101, %rem3A_183 : i32
      %eq3A = arith.constant 0 : i32
      %eq3A_185 = arith.cmpi eq, %rem3A_184, %eq3A : i32
      %convert_element_type3A_186 = arith.extui %eq3A_185 : i1 to i32
      %cond3A_187 = arith.constant 0 : i32
      %cond3A_188 = arith.cmpi ne, %convert_element_type3A_186, %cond3A_187 : i32
      scf.if %cond3A_188 {
        %jit3A_537 = arith.constant 4 : i32
        %div3A_538 = arith.divsi %mul3A_101, %jit3A_537 : i32
        %sign3A_539 = arith.constant 0 : i32
        %sign3A_540 = arith.cmpi sgt, %mul3A_101, %sign3A_539 : i32
        %sign3A_541 = arith.extui %sign3A_540 : i1 to i32
        %sign3A_542 = arith.constant 0 : i32
        %sign3A_543 = arith.cmpi slt, %mul3A_101, %sign3A_542 : i32
        %sign3A_544 = arith.extui %sign3A_543 : i1 to i32
        %sign3A_545 = arith.subi %sign3A_541, %sign3A_544 : i32
        %sign3A_546 = arith.constant 0 : i32
        %sign3A_547 = arith.cmpi sgt, %jit3A_537, %sign3A_546 : i32
        %sign3A_548 = arith.extui %sign3A_547 : i1 to i32
        %sign3A_549 = arith.constant 0 : i32
        %sign3A_550 = arith.cmpi slt, %jit3A_537, %sign3A_549 : i32
        %sign3A_551 = arith.extui %sign3A_550 : i1 to i32
        %sign3A_552 = arith.subi %sign3A_548, %sign3A_551 : i32
        %ne3A_553 = arith.cmpi ne, %sign3A_545, %sign3A_552 : i32
        %rem3A_554 = arith.remsi %mul3A_101, %jit3A_537 : i32
        %ne3A_555 = arith.constant 0 : i32
        %ne3A_556 = arith.cmpi ne, %rem3A_554, %ne3A_555 : i32
        %and3A_557 = arith.andi %ne3A_553, %ne3A_556 : i1
        %sub3A_558 = arith.constant 1 : i32
        %sub3A_559 = arith.subi %div3A_538, %sub3A_558 : i32
        %select_n3A_560 = arith.select %and3A_557, %sub3A_559, %div3A_538 : i32
        %mul3A_561 = arith.constant 16 : i32
        %mul3A_562 = arith.muli %select_n3A_560, %mul3A_561 : i32
        %add3A_563 = arith.addi %mul3A_2, %mul3A_562 : i32
        %dma_wait3A_564 = arith.constant 0 : i32
        %dma_wait3A_565 = tpu.memref_slice %arg5[%add3A_563, %dma_wait3A_564] : memref<5000x1024xf32, #tpu.memory_space<hbm>> -> memref<16x1024xf32, #tpu.memory_space<hbm>>
        %dma_wait3A_566 = arith.constant 0 : i32
        %dma_wait3A_567 = tpu.memref_slice %arg5[%add3A_563, %dma_wait3A_566] : memref<5000x1024xf32, #tpu.memory_space<hbm>> -> memref<16x1024xf32, #tpu.memory_space<hbm>>
        tpu.wait_dma2 semaphore(%arg23 : memref<!tpu.dma_semaphore, #tpu.memory_space<semaphore_mem>>) src(%dma_wait3A_567 : memref<16x1024xf32, #tpu.memory_space<hbm>>) dst(%arg14 : memref<16x1024xf32, #tpu.memory_space<vmem>>)
      } else {
      }
      %jit3A_189 = arith.constant 4 : i32
      %div3A_190 = arith.divsi %mul3A_101, %jit3A_189 : i32
      %sign3A_191 = arith.constant 0 : i32
      %sign3A_192 = arith.cmpi sgt, %mul3A_101, %sign3A_191 : i32
      %sign3A_193 = arith.extui %sign3A_192 : i1 to i32
      %sign3A_194 = arith.constant 0 : i32
      %sign3A_195 = arith.cmpi slt, %mul3A_101, %sign3A_194 : i32
      %sign3A_196 = arith.extui %sign3A_195 : i1 to i32
      %sign3A_197 = arith.subi %sign3A_193, %sign3A_196 : i32
      %sign3A_198 = arith.constant 0 : i32
      %sign3A_199 = arith.cmpi sgt, %jit3A_189, %sign3A_198 : i32
      %sign3A_200 = arith.extui %sign3A_199 : i1 to i32
      %sign3A_201 = arith.constant 0 : i32
      %sign3A_202 = arith.cmpi slt, %jit3A_189, %sign3A_201 : i32
      %sign3A_203 = arith.extui %sign3A_202 : i1 to i32
      %sign3A_204 = arith.subi %sign3A_200, %sign3A_203 : i32
      %ne3A_205 = arith.cmpi ne, %sign3A_197, %sign3A_204 : i32
      %rem3A_206 = arith.remsi %mul3A_101, %jit3A_189 : i32
      %ne3A_207 = arith.constant 0 : i32
      %ne3A_208 = arith.cmpi ne, %rem3A_206, %ne3A_207 : i32
      %and3A_209 = arith.andi %ne3A_205, %ne3A_208 : i1
      %sub3A_210 = arith.constant 1 : i32
      %sub3A_211 = arith.subi %div3A_190, %sub3A_210 : i32
      %select_n3A_212 = arith.select %and3A_209, %sub3A_211, %div3A_190 : i32
      %rem3A_213 = arith.constant 4 : i32
      %rem3A_214 = arith.remsi %mul3A_101, %rem3A_213 : i32
      %dma_wait3A_215 = arith.constant 0 : i32
      %dma_wait3A_216 = arith.constant 0 : i32
      %dma_wait3A_217 = tpu.memref_slice %arg15[%scan3A_71, %dma_wait3A_215, %dma_wait3A_216] : memref<2x16x1024xf32, #tpu.memory_space<vmem>> -> memref<1x16x1024xf32, #tpu.memory_space<vmem>>
      %dma_wait3A_218 = tpu.memref_squeeze %dma_wait3A_217 : memref<1x16x1024xf32, #tpu.memory_space<vmem>> -> memref<16x1024xf32, #tpu.memory_space<vmem>>
      %dma_wait3A_219 = arith.constant 0 : i32
      %dma_wait3A_220 = tpu.memref_slice %arg11[%rem3A_214, %select_n3A_212, %dma_wait3A_219] : memref<4x8x16xi32, #tpu.memory_space<vmem>> -> memref<1x1x16xi32, #tpu.memory_space<vmem>>
      %dma_wait3A_221 = tpu.memref_squeeze %dma_wait3A_220 : memref<1x1x16xi32, #tpu.memory_space<vmem>> -> memref<16xi32, #tpu.memory_space<vmem>>
      %dma_wait3A_222 = arith.constant 0 : i32
      %dma_wait3A_223 = arith.constant 0 : i32
      %dma_wait3A_224 = tpu.memref_slice %arg6[%dma_wait3A_222, %dma_wait3A_223] : memref<100x1024xf32, #tpu.memory_space<hbm>> -> memref<100x1024xf32, #tpu.memory_space<hbm>>
      tpu.wait_indirect_dma semaphore(%arg19 : memref<!tpu.dma_semaphore, #tpu.memory_space<semaphore_mem>>) src(%dma_wait3A_224 : memref<100x1024xf32, #tpu.memory_space<hbm>>) dst(%dma_wait3A_218 : memref<16x1024xf32, #tpu.memory_space<vmem>>)
      %dma_wait3A_225 = arith.constant 0 : i32
      %dma_wait3A_226 = arith.constant 0 : i32
      %dma_wait3A_227 = tpu.memref_slice %arg16[%scan3A_72, %dma_wait3A_225, %dma_wait3A_226] : memref<2x16x1024xf32, #tpu.memory_space<vmem>> -> memref<1x16x1024xf32, #tpu.memory_space<vmem>>
      %dma_wait3A_228 = tpu.memref_squeeze %dma_wait3A_227 : memref<1x16x1024xf32, #tpu.memory_space<vmem>> -> memref<16x1024xf32, #tpu.memory_space<vmem>>
      %dma_wait3A_229 = arith.constant 0 : i32
      %dma_wait3A_230 = tpu.memref_slice %arg12[%rem3A_214, %select_n3A_212, %dma_wait3A_229] : memref<4x8x16xi32, #tpu.memory_space<vmem>> -> memref<1x1x16xi32, #tpu.memory_space<vmem>>
      %dma_wait3A_231 = tpu.memref_squeeze %dma_wait3A_230 : memref<1x1x16xi32, #tpu.memory_space<vmem>> -> memref<16xi32, #tpu.memory_space<vmem>>
      %dma_wait3A_232 = arith.constant 0 : i32
      %dma_wait3A_233 = arith.constant 0 : i32
      %dma_wait3A_234 = tpu.memref_slice %arg7[%dma_wait3A_232, %dma_wait3A_233] : memref<360x1024xf32, #tpu.memory_space<hbm>> -> memref<360x1024xf32, #tpu.memory_space<hbm>>
      tpu.wait_indirect_dma semaphore(%arg19 : memref<!tpu.dma_semaphore, #tpu.memory_space<semaphore_mem>>) src(%dma_wait3A_234 : memref<360x1024xf32, #tpu.memory_space<hbm>>) dst(%dma_wait3A_228 : memref<16x1024xf32, #tpu.memory_space<vmem>>)
      %dma_wait3A_235 = arith.constant 0 : i32
      %dma_wait3A_236 = arith.constant 0 : i32
      %dma_wait3A_237 = tpu.memref_slice %arg17[%scan3A_73, %dma_wait3A_235, %dma_wait3A_236] : memref<2x16x1024xf32, #tpu.memory_space<vmem>> -> memref<1x16x1024xf32, #tpu.memory_space<vmem>>
      %dma_wait3A_238 = tpu.memref_squeeze %dma_wait3A_237 : memref<1x16x1024xf32, #tpu.memory_space<vmem>> -> memref<16x1024xf32, #tpu.memory_space<vmem>>
      %dma_wait3A_239 = arith.constant 0 : i32
      %dma_wait3A_240 = tpu.memref_slice %arg13[%rem3A_214, %select_n3A_212, %dma_wait3A_239] : memref<4x8x16xi32, #tpu.memory_space<vmem>> -> memref<1x1x16xi32, #tpu.memory_space<vmem>>
      %dma_wait3A_241 = tpu.memref_squeeze %dma_wait3A_240 : memref<1x1x16xi32, #tpu.memory_space<vmem>> -> memref<16xi32, #tpu.memory_space<vmem>>
      %dma_wait3A_242 = arith.constant 0 : i32
      %dma_wait3A_243 = arith.constant 0 : i32
      %dma_wait3A_244 = tpu.memref_slice %arg8[%dma_wait3A_242, %dma_wait3A_243] : memref<1000x1024xf32, #tpu.memory_space<hbm>> -> memref<1000x1024xf32, #tpu.memory_space<hbm>>
      tpu.wait_indirect_dma semaphore(%arg19 : memref<!tpu.dma_semaphore, #tpu.memory_space<semaphore_mem>>) src(%dma_wait3A_244 : memref<1000x1024xf32, #tpu.memory_space<hbm>>) dst(%dma_wait3A_238 : memref<16x1024xf32, #tpu.memory_space<vmem>>)
      %scan3A_245 = arith.constant 0 : i32
      %scan3A_246 = arith.constant 0 : i32
      %scan3A_247 = arith.constant 16 : i32
      %scan3A_248 = arith.addi %scan3A_246, %scan3A_247 : i32
      %scan3A_249 = arith.constant 1 : i32
      scf.for %scan3A_537 = %scan3A_246 to %scan3A_248 step %scan3A_249  : i32 {
        %scan3A_538 = arith.constant 0 : i32
        %scan3A_539 = arith.constant 16 : i32
        %scan3A_540 = arith.addi %scan3A_538, %scan3A_539 : i32
        %scan3A_541 = arith.constant 1 : i32
        scf.for %scan3A_543 = %scan3A_538 to %scan3A_540 step %scan3A_541  : i32 {
          %mul3A_544 = arith.constant 4 : i32
          %mul3A_545 = arith.muli %scan3A_543, %mul3A_544 : i32
          %add3A_546 = arith.constant 0 : i32
          %add3A_547 = arith.addi %mul3A_545, %add3A_546 : i32
          %mul3A_548 = arith.constant 16 : i32
          %mul3A_549 = arith.muli %add3A_547, %mul3A_548 : i32
          %get3A_550 = arith.index_cast %scan3A_537 : i32 to index
          %get3A_551 = arith.index_cast %mul3A_549 : i32 to index
          %get3A_552 = tpu.vector_load %arg14[%get3A_550, %get3A_551] {strides = array<i32>} : memref<16x1024xf32, #tpu.memory_space<vmem>>, vector<1x16xf32>,
          %get3A_553 = vector.shape_cast %get3A_552 : vector<1x16xf32> to vector<16xf32>
          %mul3A_554 = arith.mulf %get3A_553, %get3A_6 : vector<16xf32>
          %get3A_555 = arith.constant 0 : i32
          %get3A_556 = arith.constant 0 : i32
          %get3A_557 = tpu.memref_slice %arg15[%scan3A_71, %get3A_555, %get3A_556] : memref<2x16x1024xf32, #tpu.memory_space<vmem>> -> memref<1x16x1024xf32, #tpu.memory_space<vmem>>
          %get3A_558 = tpu.memref_squeeze %get3A_557 : memref<1x16x1024xf32, #tpu.memory_space<vmem>> -> memref<16x1024xf32, #tpu.memory_space<vmem>>
          %get3A_559 = arith.index_cast %scan3A_537 : i32 to index
          %get3A_560 = arith.index_cast %mul3A_549 : i32 to index
          %get3A_561 = tpu.vector_load %get3A_558[%get3A_559, %get3A_560] {strides = array<i32>} : memref<16x1024xf32, #tpu.memory_space<vmem>>, vector<1x16xf32>,
          %get3A_562 = vector.shape_cast %get3A_561 : vector<1x16xf32> to vector<16xf32>
          %mul3A_563 = arith.mulf %get3A_562, %get3A_11 : vector<16xf32>
          %add3A_564 = arith.addf %mul3A_554, %mul3A_563 : vector<16xf32>
          %get3A_565 = arith.constant 0 : i32
          %get3A_566 = arith.constant 0 : i32
          %get3A_567 = tpu.memref_slice %arg16[%scan3A_72, %get3A_565, %get3A_566] : memref<2x16x1024xf32, #tpu.memory_space<vmem>> -> memref<1x16x1024xf32, #tpu.memory_space<vmem>>
          %get3A_568 = tpu.memref_squeeze %get3A_567 : memref<1x16x1024xf32, #tpu.memory_space<vmem>> -> memref<16x1024xf32, #tpu.memory_space<vmem>>
          %get3A_569 = arith.index_cast %scan3A_537 : i32 to index
          %get3A_570 = arith.index_cast %mul3A_549 : i32 to index
          %get3A_571 = tpu.vector_load %get3A_568[%get3A_569, %get3A_570] {strides = array<i32>} : memref<16x1024xf32, #tpu.memory_space<vmem>>, vector<1x16xf32>,
          %get3A_572 = vector.shape_cast %get3A_571 : vector<1x16xf32> to vector<16xf32>
          %mul3A_573 = arith.mulf %get3A_572, %get3A_16 : vector<16xf32>
          %add3A_574 = arith.addf %add3A_564, %mul3A_573 : vector<16xf32>
          %get3A_575 = arith.constant 0 : i32
          %get3A_576 = arith.constant 0 : i32
          %get3A_577 = tpu.memref_slice %arg17[%scan3A_73, %get3A_575, %get3A_576] : memref<2x16x1024xf32, #tpu.memory_space<vmem>> -> memref<1x16x1024xf32, #tpu.memory_space<vmem>>
          %get3A_578 = tpu.memref_squeeze %get3A_577 : memref<1x16x1024xf32, #tpu.memory_space<vmem>> -> memref<16x1024xf32, #tpu.memory_space<vmem>>
          %get3A_579 = arith.index_cast %scan3A_537 : i32 to index
          %get3A_580 = arith.index_cast %mul3A_549 : i32 to index
          %get3A_581 = tpu.vector_load %get3A_578[%get3A_579, %get3A_580] {strides = array<i32>} : memref<16x1024xf32, #tpu.memory_space<vmem>>, vector<1x16xf32>,
          %get3A_582 = vector.shape_cast %get3A_581 : vector<1x16xf32> to vector<16xf32>
          %mul3A_583 = arith.mulf %get3A_582, %get3A_21 : vector<16xf32>
          %add3A_584 = arith.addf %add3A_574, %mul3A_583 : vector<16xf32>
          %swap3A = arith.constant 0 : i32
          %swap3A_585 = arith.constant 0 : i32
          %swap3A_586 = tpu.memref_slice %arg15[%scan3A_71, %swap3A, %swap3A_585] : memref<2x16x1024xf32, #tpu.memory_space<vmem>> -> memref<1x16x1024xf32, #tpu.memory_space<vmem>>
          %swap3A_587 = tpu.memref_squeeze %swap3A_586 : memref<1x16x1024xf32, #tpu.memory_space<vmem>> -> memref<16x1024xf32, #tpu.memory_space<vmem>>
          %swap3A_588 = arith.index_cast %scan3A_537 : i32 to index
          %swap3A_589 = arith.index_cast %mul3A_549 : i32 to index
          %swap3A_590 = tpu.vector_load %swap3A_587[%swap3A_588, %swap3A_589] {strides = array<i32>} : memref<16x1024xf32, #tpu.memory_space<vmem>>, vector<1x16xf32>,
          %swap3A_591 = vector.shape_cast %swap3A_590 : vector<1x16xf32> to vector<16xf32>
          %swap3A_592 = vector.shape_cast %add3A_584 : vector<16xf32> to vector<1x16xf32>
          tpu.vector_store %swap3A_587[%swap3A_588, %swap3A_589], %swap3A_592 {strides = array<i32>} : memref<16x1024xf32, #tpu.memory_space<vmem>>, vector<1x16xf32>,
          %mul3A_593 = arith.constant 4 : i32
          %mul3A_594 = arith.muli %scan3A_543, %mul3A_593 : i32
          %add3A_595 = arith.constant 1 : i32
          %add3A_596 = arith.addi %mul3A_594, %add3A_595 : i32
          %mul3A_597 = arith.constant 16 : i32
          %mul3A_598 = arith.muli %add3A_596, %mul3A_597 : i32
          %get3A_599 = arith.index_cast %scan3A_537 : i32 to index
          %get3A_600 = arith.index_cast %mul3A_598 : i32 to index
          %get3A_601 = tpu.vector_load %arg14[%get3A_599, %get3A_600] {strides = array<i32>} : memref<16x1024xf32, #tpu.memory_space<vmem>>, vector<1x16xf32>,
          %get3A_602 = vector.shape_cast %get3A_601 : vector<1x16xf32> to vector<16xf32>
          %mul3A_603 = arith.mulf %get3A_602, %get3A_6 : vector<16xf32>
          %get3A_604 = arith.constant 0 : i32
          %get3A_605 = arith.constant 0 : i32
          %get3A_606 = tpu.memref_slice %arg15[%scan3A_71, %get3A_604, %get3A_605] : memref<2x16x1024xf32, #tpu.memory_space<vmem>> -> memref<1x16x1024xf32, #tpu.memory_space<vmem>>
          %get3A_607 = tpu.memref_squeeze %get3A_606 : memref<1x16x1024xf32, #tpu.memory_space<vmem>> -> memref<16x1024xf32, #tpu.memory_space<vmem>>
          %get3A_608 = arith.index_cast %scan3A_537 : i32 to index
          %get3A_609 = arith.index_cast %mul3A_598 : i32 to index
          %get3A_610 = tpu.vector_load %get3A_607[%get3A_608, %get3A_609] {strides = array<i32>} : memref<16x1024xf32, #tpu.memory_space<vmem>>, vector<1x16xf32>,
          %get3A_611 = vector.shape_cast %get3A_610 : vector<1x16xf32> to vector<16xf32>
          %mul3A_612 = arith.mulf %get3A_611, %get3A_11 : vector<16xf32>
          %add3A_613 = arith.addf %mul3A_603, %mul3A_612 : vector<16xf32>
          %get3A_614 = arith.constant 0 : i32
          %get3A_615 = arith.constant 0 : i32
          %get3A_616 = tpu.memref_slice %arg16[%scan3A_72, %get3A_614, %get3A_615] : memref<2x16x1024xf32, #tpu.memory_space<vmem>> -> memref<1x16x1024xf32, #tpu.memory_space<vmem>>
          %get3A_617 = tpu.memref_squeeze %get3A_616 : memref<1x16x1024xf32, #tpu.memory_space<vmem>> -> memref<16x1024xf32, #tpu.memory_space<vmem>>
          %get3A_618 = arith.index_cast %scan3A_537 : i32 to index
          %get3A_619 = arith.index_cast %mul3A_598 : i32 to index
          %get3A_620 = tpu.vector_load %get3A_617[%get3A_618, %get3A_619] {strides = array<i32>} : memref<16x1024xf32, #tpu.memory_space<vmem>>, vector<1x16xf32>,
          %get3A_621 = vector.shape_cast %get3A_620 : vector<1x16xf32> to vector<16xf32>
          %mul3A_622 = arith.mulf %get3A_621, %get3A_16 : vector<16xf32>
          %add3A_623 = arith.addf %add3A_613, %mul3A_622 : vector<16xf32>
          %get3A_624 = arith.constant 0 : i32
          %get3A_625 = arith.constant 0 : i32
          %get3A_626 = tpu.memref_slice %arg17[%scan3A_73, %get3A_624, %get3A_625] : memref<2x16x1024xf32, #tpu.memory_space<vmem>> -> memref<1x16x1024xf32, #tpu.memory_space<vmem>>
          %get3A_627 = tpu.memref_squeeze %get3A_626 : memref<1x16x1024xf32, #tpu.memory_space<vmem>> -> memref<16x1024xf32, #tpu.memory_space<vmem>>
          %get3A_628 = arith.index_cast %scan3A_537 : i32 to index
          %get3A_629 = arith.index_cast %mul3A_598 : i32 to index
          %get3A_630 = tpu.vector_load %get3A_627[%get3A_628, %get3A_629] {strides = array<i32>} : memref<16x1024xf32, #tpu.memory_space<vmem>>, vector<1x16xf32>,
          %get3A_631 = vector.shape_cast %get3A_630 : vector<1x16xf32> to vector<16xf32>
          %mul3A_632 = arith.mulf %get3A_631, %get3A_21 : vector<16xf32>
          %add3A_633 = arith.addf %add3A_623, %mul3A_632 : vector<16xf32>
          %swap3A_634 = arith.constant 0 : i32
          %swap3A_635 = arith.constant 0 : i32
          %swap3A_636 = tpu.memref_slice %arg15[%scan3A_71, %swap3A_634, %swap3A_635] : memref<2x16x1024xf32, #tpu.memory_space<vmem>> -> memref<1x16x1024xf32, #tpu.memory_space<vmem>>
          %swap3A_637 = tpu.memref_squeeze %swap3A_636 : memref<1x16x1024xf32, #tpu.memory_space<vmem>> -> memref<16x1024xf32, #tpu.memory_space<vmem>>
          %swap3A_638 = arith.index_cast %scan3A_537 : i32 to index
          %swap3A_639 = arith.index_cast %mul3A_598 : i32 to index
          %swap3A_640 = tpu.vector_load %swap3A_637[%swap3A_638, %swap3A_639] {strides = array<i32>} : memref<16x1024xf32, #tpu.memory_space<vmem>>, vector<1x16xf32>,
          %swap3A_641 = vector.shape_cast %swap3A_640 : vector<1x16xf32> to vector<16xf32>
          %swap3A_642 = vector.shape_cast %add3A_633 : vector<16xf32> to vector<1x16xf32>
          tpu.vector_store %swap3A_637[%swap3A_638, %swap3A_639], %swap3A_642 {strides = array<i32>} : memref<16x1024xf32, #tpu.memory_space<vmem>>, vector<1x16xf32>,
          %mul3A_643 = arith.constant 4 : i32
          %mul3A_644 = arith.muli %scan3A_543, %mul3A_643 : i32
          %add3A_645 = arith.constant 2 : i32
          %add3A_646 = arith.addi %mul3A_644, %add3A_645 : i32
          %mul3A_647 = arith.constant 16 : i32
          %mul3A_648 = arith.muli %add3A_646, %mul3A_647 : i32
          %get3A_649 = arith.index_cast %scan3A_537 : i32 to index
          %get3A_650 = arith.index_cast %mul3A_648 : i32 to index
          %get3A_651 = tpu.vector_load %arg14[%get3A_649, %get3A_650] {strides = array<i32>} : memref<16x1024xf32, #tpu.memory_space<vmem>>, vector<1x16xf32>,
          %get3A_652 = vector.shape_cast %get3A_651 : vector<1x16xf32> to vector<16xf32>
          %mul3A_653 = arith.mulf %get3A_652, %get3A_6 : vector<16xf32>
          %get3A_654 = arith.constant 0 : i32
          %get3A_655 = arith.constant 0 : i32
          %get3A_656 = tpu.memref_slice %arg15[%scan3A_71, %get3A_654, %get3A_655] : memref<2x16x1024xf32, #tpu.memory_space<vmem>> -> memref<1x16x1024xf32, #tpu.memory_space<vmem>>
          %get3A_657 = tpu.memref_squeeze %get3A_656 : memref<1x16x1024xf32, #tpu.memory_space<vmem>> -> memref<16x1024xf32, #tpu.memory_space<vmem>>
          %get3A_658 = arith.index_cast %scan3A_537 : i32 to index
          %get3A_659 = arith.index_cast %mul3A_648 : i32 to index
          %get3A_660 = tpu.vector_load %get3A_657[%get3A_658, %get3A_659] {strides = array<i32>} : memref<16x1024xf32, #tpu.memory_space<vmem>>, vector<1x16xf32>,
          %get3A_661 = vector.shape_cast %get3A_660 : vector<1x16xf32> to vector<16xf32>
          %mul3A_662 = arith.mulf %get3A_661, %get3A_11 : vector<16xf32>
          %add3A_663 = arith.addf %mul3A_653, %mul3A_662 : vector<16xf32>
          %get3A_664 = arith.constant 0 : i32
          %get3A_665 = arith.constant 0 : i32
          %get3A_666 = tpu.memref_slice %arg16[%scan3A_72, %get3A_664, %get3A_665] : memref<2x16x1024xf32, #tpu.memory_space<vmem>> -> memref<1x16x1024xf32, #tpu.memory_space<vmem>>
          %get3A_667 = tpu.memref_squeeze %get3A_666 : memref<1x16x1024xf32, #tpu.memory_space<vmem>> -> memref<16x1024xf32, #tpu.memory_space<vmem>>
          %get3A_668 = arith.index_cast %scan3A_537 : i32 to index
          %get3A_669 = arith.index_cast %mul3A_648 : i32 to index
          %get3A_670 = tpu.vector_load %get3A_667[%get3A_668, %get3A_669] {strides = array<i32>} : memref<16x1024xf32, #tpu.memory_space<vmem>>, vector<1x16xf32>,
          %get3A_671 = vector.shape_cast %get3A_670 : vector<1x16xf32> to vector<16xf32>
          %mul3A_672 = arith.mulf %get3A_671, %get3A_16 : vector<16xf32>
          %add3A_673 = arith.addf %add3A_663, %mul3A_672 : vector<16xf32>
          %get3A_674 = arith.constant 0 : i32
          %get3A_675 = arith.constant 0 : i32
          %get3A_676 = tpu.memref_slice %arg17[%scan3A_73, %get3A_674, %get3A_675] : memref<2x16x1024xf32, #tpu.memory_space<vmem>> -> memref<1x16x1024xf32, #tpu.memory_space<vmem>>
          %get3A_677 = tpu.memref_squeeze %get3A_676 : memref<1x16x1024xf32, #tpu.memory_space<vmem>> -> memref<16x1024xf32, #tpu.memory_space<vmem>>
          %get3A_678 = arith.index_cast %scan3A_537 : i32 to index
          %get3A_679 = arith.index_cast %mul3A_648 : i32 to index
          %get3A_680 = tpu.vector_load %get3A_677[%get3A_678, %get3A_679] {strides = array<i32>} : memref<16x1024xf32, #tpu.memory_space<vmem>>, vector<1x16xf32>,
          %get3A_681 = vector.shape_cast %get3A_680 : vector<1x16xf32> to vector<16xf32>
          %mul3A_682 = arith.mulf %get3A_681, %get3A_21 : vector<16xf32>
          %add3A_683 = arith.addf %add3A_673, %mul3A_682 : vector<16xf32>
          %swap3A_684 = arith.constant 0 : i32
          %swap3A_685 = arith.constant 0 : i32
          %swap3A_686 = tpu.memref_slice %arg15[%scan3A_71, %swap3A_684, %swap3A_685] : memref<2x16x1024xf32, #tpu.memory_space<vmem>> -> memref<1x16x1024xf32, #tpu.memory_space<vmem>>
          %swap3A_687 = tpu.memref_squeeze %swap3A_686 : memref<1x16x1024xf32, #tpu.memory_space<vmem>> -> memref<16x1024xf32, #tpu.memory_space<vmem>>
          %swap3A_688 = arith.index_cast %scan3A_537 : i32 to index
          %swap3A_689 = arith.index_cast %mul3A_648 : i32 to index
          %swap3A_690 = tpu.vector_load %swap3A_687[%swap3A_688, %swap3A_689] {strides = array<i32>} : memref<16x1024xf32, #tpu.memory_space<vmem>>, vector<1x16xf32>,
          %swap3A_691 = vector.shape_cast %swap3A_690 : vector<1x16xf32> to vector<16xf32>
          %swap3A_692 = vector.shape_cast %add3A_683 : vector<16xf32> to vector<1x16xf32>
          tpu.vector_store %swap3A_687[%swap3A_688, %swap3A_689], %swap3A_692 {strides = array<i32>} : memref<16x1024xf32, #tpu.memory_space<vmem>>, vector<1x16xf32>,
          %mul3A_693 = arith.constant 4 : i32
          %mul3A_694 = arith.muli %scan3A_543, %mul3A_693 : i32
          %add3A_695 = arith.constant 3 : i32
          %add3A_696 = arith.addi %mul3A_694, %add3A_695 : i32
          %mul3A_697 = arith.constant 16 : i32
          %mul3A_698 = arith.muli %add3A_696, %mul3A_697 : i32
          %get3A_699 = arith.index_cast %scan3A_537 : i32 to index
          %get3A_700 = arith.index_cast %mul3A_698 : i32 to index
          %get3A_701 = tpu.vector_load %arg14[%get3A_699, %get3A_700] {strides = array<i32>} : memref<16x1024xf32, #tpu.memory_space<vmem>>, vector<1x16xf32>,
          %get3A_702 = vector.shape_cast %get3A_701 : vector<1x16xf32> to vector<16xf32>
          %mul3A_703 = arith.mulf %get3A_702, %get3A_6 : vector<16xf32>
          %get3A_704 = arith.constant 0 : i32
          %get3A_705 = arith.constant 0 : i32
          %get3A_706 = tpu.memref_slice %arg15[%scan3A_71, %get3A_704, %get3A_705] : memref<2x16x1024xf32, #tpu.memory_space<vmem>> -> memref<1x16x1024xf32, #tpu.memory_space<vmem>>
          %get3A_707 = tpu.memref_squeeze %get3A_706 : memref<1x16x1024xf32, #tpu.memory_space<vmem>> -> memref<16x1024xf32, #tpu.memory_space<vmem>>
          %get3A_708 = arith.index_cast %scan3A_537 : i32 to index
          %get3A_709 = arith.index_cast %mul3A_698 : i32 to index
          %get3A_710 = tpu.vector_load %get3A_707[%get3A_708, %get3A_709] {strides = array<i32>} : memref<16x1024xf32, #tpu.memory_space<vmem>>, vector<1x16xf32>,
          %get3A_711 = vector.shape_cast %get3A_710 : vector<1x16xf32> to vector<16xf32>
          %mul3A_712 = arith.mulf %get3A_711, %get3A_11 : vector<16xf32>
          %add3A_713 = arith.addf %mul3A_703, %mul3A_712 : vector<16xf32>
          %get3A_714 = arith.constant 0 : i32
          %get3A_715 = arith.constant 0 : i32
          %get3A_716 = tpu.memref_slice %arg16[%scan3A_72, %get3A_714, %get3A_715] : memref<2x16x1024xf32, #tpu.memory_space<vmem>> -> memref<1x16x1024xf32, #tpu.memory_space<vmem>>
          %get3A_717 = tpu.memref_squeeze %get3A_716 : memref<1x16x1024xf32, #tpu.memory_space<vmem>> -> memref<16x1024xf32, #tpu.memory_space<vmem>>
          %get3A_718 = arith.index_cast %scan3A_537 : i32 to index
          %get3A_719 = arith.index_cast %mul3A_698 : i32 to index
          %get3A_720 = tpu.vector_load %get3A_717[%get3A_718, %get3A_719] {strides = array<i32>} : memref<16x1024xf32, #tpu.memory_space<vmem>>, vector<1x16xf32>,
          %get3A_721 = vector.shape_cast %get3A_720 : vector<1x16xf32> to vector<16xf32>
          %mul3A_722 = arith.mulf %get3A_721, %get3A_16 : vector<16xf32>
          %add3A_723 = arith.addf %add3A_713, %mul3A_722 : vector<16xf32>
          %get3A_724 = arith.constant 0 : i32
          %get3A_725 = arith.constant 0 : i32
          %get3A_726 = tpu.memref_slice %arg17[%scan3A_73, %get3A_724, %get3A_725] : memref<2x16x1024xf32, #tpu.memory_space<vmem>> -> memref<1x16x1024xf32, #tpu.memory_space<vmem>>
          %get3A_727 = tpu.memref_squeeze %get3A_726 : memref<1x16x1024xf32, #tpu.memory_space<vmem>> -> memref<16x1024xf32, #tpu.memory_space<vmem>>
          %get3A_728 = arith.index_cast %scan3A_537 : i32 to index
          %get3A_729 = arith.index_cast %mul3A_698 : i32 to index
          %get3A_730 = tpu.vector_load %get3A_727[%get3A_728, %get3A_729] {strides = array<i32>} : memref<16x1024xf32, #tpu.memory_space<vmem>>, vector<1x16xf32>,
          %get3A_731 = vector.shape_cast %get3A_730 : vector<1x16xf32> to vector<16xf32>
          %mul3A_732 = arith.mulf %get3A_731, %get3A_21 : vector<16xf32>
          %add3A_733 = arith.addf %add3A_723, %mul3A_732 : vector<16xf32>
          %swap3A_734 = arith.constant 0 : i32
          %swap3A_735 = arith.constant 0 : i32
          %swap3A_736 = tpu.memref_slice %arg15[%scan3A_71, %swap3A_734, %swap3A_735] : memref<2x16x1024xf32, #tpu.memory_space<vmem>> -> memref<1x16x1024xf32, #tpu.memory_space<vmem>>
          %swap3A_737 = tpu.memref_squeeze %swap3A_736 : memref<1x16x1024xf32, #tpu.memory_space<vmem>> -> memref<16x1024xf32, #tpu.memory_space<vmem>>
          %swap3A_738 = arith.index_cast %scan3A_537 : i32 to index
          %swap3A_739 = arith.index_cast %mul3A_698 : i32 to index
          %swap3A_740 = tpu.vector_load %swap3A_737[%swap3A_738, %swap3A_739] {strides = array<i32>} : memref<16x1024xf32, #tpu.memory_space<vmem>>, vector<1x16xf32>,
          %swap3A_741 = vector.shape_cast %swap3A_740 : vector<1x16xf32> to vector<16xf32>
          %swap3A_742 = vector.shape_cast %add3A_733 : vector<16xf32> to vector<1x16xf32>
          tpu.vector_store %swap3A_737[%swap3A_738, %swap3A_739], %swap3A_742 {strides = array<i32>} : memref<16x1024xf32, #tpu.memory_space<vmem>>, vector<1x16xf32>,
        }
        %scan3A_542 = arith.constant 16 : i32
      }
      %scan3A_250 = arith.constant 16 : i32
      %rem3A_251 = arith.constant 4 : i32
      %rem3A_252 = arith.remsi %mul3A_101, %rem3A_251 : i32
      %eq3A_253 = arith.constant 3 : i32
      %eq3A_254 = arith.cmpi eq, %rem3A_252, %eq3A_253 : i32
      %jit3A_255 = arith.constant 4 : i32
      %div3A_256 = arith.divsi %mul3A_101, %jit3A_255 : i32
      %sign3A_257 = arith.constant 0 : i32
      %sign3A_258 = arith.cmpi sgt, %mul3A_101, %sign3A_257 : i32
      %sign3A_259 = arith.extui %sign3A_258 : i1 to i32
      %sign3A_260 = arith.constant 0 : i32
      %sign3A_261 = arith.cmpi slt, %mul3A_101, %sign3A_260 : i32
      %sign3A_262 = arith.extui %sign3A_261 : i1 to i32
      %sign3A_263 = arith.subi %sign3A_259, %sign3A_262 : i32
      %sign3A_264 = arith.constant 0 : i32
      %sign3A_265 = arith.cmpi sgt, %jit3A_255, %sign3A_264 : i32
      %sign3A_266 = arith.extui %sign3A_265 : i1 to i32
      %sign3A_267 = arith.constant 0 : i32
      %sign3A_268 = arith.cmpi slt, %jit3A_255, %sign3A_267 : i32
      %sign3A_269 = arith.extui %sign3A_268 : i1 to i32
      %sign3A_270 = arith.subi %sign3A_266, %sign3A_269 : i32
      %ne3A_271 = arith.cmpi ne, %sign3A_263, %sign3A_270 : i32
      %rem3A_272 = arith.remsi %mul3A_101, %jit3A_255 : i32
      %ne3A_273 = arith.constant 0 : i32
      %ne3A_274 = arith.cmpi ne, %rem3A_272, %ne3A_273 : i32
      %and3A_275 = arith.andi %ne3A_271, %ne3A_274 : i1
      %sub3A_276 = arith.constant 1 : i32
      %sub3A_277 = arith.subi %div3A_256, %sub3A_276 : i32
      %select_n3A_278 = arith.select %and3A_275, %sub3A_277, %div3A_256 : i32
      %add3A_279 = arith.constant 1 : i32
      %add3A_280 = arith.addi %select_n3A_278, %add3A_279 : i32
      %lt3A = arith.constant 8 : i32
      %lt3A_281 = arith.cmpi slt, %add3A_280, %lt3A : i32
      %and3A_282 = arith.andi %eq3A_254, %lt3A_281 : i1
      %convert_element_type3A_283 = arith.extui %and3A_282 : i1 to i32
      %cond3A_284 = arith.constant 0 : i32
      %cond3A_285 = arith.cmpi ne, %convert_element_type3A_283, %cond3A_284 : i32
      scf.if %cond3A_285 {
        %jit3A_537 = arith.constant 4 : i32
        %div3A_538 = arith.divsi %mul3A_101, %jit3A_537 : i32
        %sign3A_539 = arith.constant 0 : i32
        %sign3A_540 = arith.cmpi sgt, %mul3A_101, %sign3A_539 : i32
        %sign3A_541 = arith.extui %sign3A_540 : i1 to i32
        %sign3A_542 = arith.constant 0 : i32
        %sign3A_543 = arith.cmpi slt, %mul3A_101, %sign3A_542 : i32
        %sign3A_544 = arith.extui %sign3A_543 : i1 to i32
        %sign3A_545 = arith.subi %sign3A_541, %sign3A_544 : i32
        %sign3A_546 = arith.constant 0 : i32
        %sign3A_547 = arith.cmpi sgt, %jit3A_537, %sign3A_546 : i32
        %sign3A_548 = arith.extui %sign3A_547 : i1 to i32
        %sign3A_549 = arith.constant 0 : i32
        %sign3A_550 = arith.cmpi slt, %jit3A_537, %sign3A_549 : i32
        %sign3A_551 = arith.extui %sign3A_550 : i1 to i32
        %sign3A_552 = arith.subi %sign3A_548, %sign3A_551 : i32
        %ne3A_553 = arith.cmpi ne, %sign3A_545, %sign3A_552 : i32
        %rem3A_554 = arith.remsi %mul3A_101, %jit3A_537 : i32
        %ne3A_555 = arith.constant 0 : i32
        %ne3A_556 = arith.cmpi ne, %rem3A_554, %ne3A_555 : i32
        %and3A_557 = arith.andi %ne3A_553, %ne3A_556 : i1
        %sub3A_558 = arith.constant 1 : i32
        %sub3A_559 = arith.subi %div3A_538, %sub3A_558 : i32
        %select_n3A_560 = arith.select %and3A_557, %sub3A_559, %div3A_538 : i32
        %add3A_561 = arith.constant 1 : i32
        %add3A_562 = arith.addi %select_n3A_560, %add3A_561 : i32
        %mul3A_563 = arith.constant 16 : i32
        %mul3A_564 = arith.muli %add3A_562, %mul3A_563 : i32
        %add3A_565 = arith.addi %mul3A_2, %mul3A_564 : i32
        %dma_start3A_566 = arith.constant 0 : i32
        %dma_start3A_567 = tpu.memref_slice %arg5[%add3A_565, %dma_start3A_566] : memref<5000x1024xf32, #tpu.memory_space<hbm>> -> memref<16x1024xf32, #tpu.memory_space<hbm>>
        %dma_start3A_568 = arith.constant 0 : i32
        %dma_start3A_569 = tpu.memref_slice %arg5[%add3A_565, %dma_start3A_568] : memref<5000x1024xf32, #tpu.memory_space<hbm>> -> memref<16x1024xf32, #tpu.memory_space<hbm>>
        tpu.enqueue_dma source(%dma_start3A_569 : memref<16x1024xf32, #tpu.memory_space<hbm>>) target(%arg14 : memref<16x1024xf32, #tpu.memory_space<vmem>>) target_semaphore(%arg23 : memref<!tpu.dma_semaphore, #tpu.memory_space<semaphore_mem>>)
      } else {
      }
      %jit3A_286 = arith.constant 4 : i32
      %div3A_287 = arith.divsi %mul3A_101, %jit3A_286 : i32
      %sign3A_288 = arith.constant 0 : i32
      %sign3A_289 = arith.cmpi sgt, %mul3A_101, %sign3A_288 : i32
      %sign3A_290 = arith.extui %sign3A_289 : i1 to i32
      %sign3A_291 = arith.constant 0 : i32
      %sign3A_292 = arith.cmpi slt, %mul3A_101, %sign3A_291 : i32
      %sign3A_293 = arith.extui %sign3A_292 : i1 to i32
      %sign3A_294 = arith.subi %sign3A_290, %sign3A_293 : i32
      %sign3A_295 = arith.constant 0 : i32
      %sign3A_296 = arith.cmpi sgt, %jit3A_286, %sign3A_295 : i32
      %sign3A_297 = arith.extui %sign3A_296 : i1 to i32
      %sign3A_298 = arith.constant 0 : i32
      %sign3A_299 = arith.cmpi slt, %jit3A_286, %sign3A_298 : i32
      %sign3A_300 = arith.extui %sign3A_299 : i1 to i32
      %sign3A_301 = arith.subi %sign3A_297, %sign3A_300 : i32
      %ne3A_302 = arith.cmpi ne, %sign3A_294, %sign3A_301 : i32
      %rem3A_303 = arith.remsi %mul3A_101, %jit3A_286 : i32
      %ne3A_304 = arith.constant 0 : i32
      %ne3A_305 = arith.cmpi ne, %rem3A_303, %ne3A_304 : i32
      %and3A_306 = arith.andi %ne3A_302, %ne3A_305 : i1
      %sub3A_307 = arith.constant 1 : i32
      %sub3A_308 = arith.subi %div3A_287, %sub3A_307 : i32
      %select_n3A_309 = arith.select %and3A_306, %sub3A_308, %div3A_287 : i32
      %rem3A_310 = arith.constant 4 : i32
      %rem3A_311 = arith.remsi %mul3A_101, %rem3A_310 : i32
      %mul3A_312 = arith.constant 4096 : i32
      %mul3A_313 = arith.muli %rem3A_311, %mul3A_312 : i32
      %add3A_314 = arith.addi %mul3A_313, %mul3A_2 : i32
      %mul3A_315 = arith.constant 16 : i32
      %mul3A_316 = arith.muli %select_n3A_309, %mul3A_315 : i32
      %add3A_317 = arith.addi %add3A_314, %mul3A_316 : i32
      %dma_start3A_318 = arith.constant 0 : i32
      %dma_start3A_319 = arith.constant 0 : i32
      %dma_start3A_320 = tpu.memref_slice %arg15[%scan3A_71, %dma_start3A_318, %dma_start3A_319] : memref<2x16x1024xf32, #tpu.memory_space<vmem>> -> memref<1x16x1024xf32, #tpu.memory_space<vmem>>
      %dma_start3A_321 = tpu.memref_squeeze %dma_start3A_320 : memref<1x16x1024xf32, #tpu.memory_space<vmem>> -> memref<16x1024xf32, #tpu.memory_space<vmem>>
      %dma_start3A_322 = arith.constant 0 : i32
      %dma_start3A_323 = tpu.memref_slice %arg10[%add3A_317, %dma_start3A_322] : memref<16384x1024xf32, #tpu.memory_space<hbm>> -> memref<16x1024xf32, #tpu.memory_space<hbm>>
      %dma_start3A_324 = arith.constant 0 : i32
      %dma_start3A_325 = tpu.memref_slice %arg10[%add3A_317, %dma_start3A_324] : memref<16384x1024xf32, #tpu.memory_space<hbm>> -> memref<16x1024xf32, #tpu.memory_space<hbm>>
      %dma_start3A_326 = arith.constant 0 : i32
      %dma_start3A_327 = arith.constant 0 : i32
      %dma_start3A_328 = tpu.memref_slice %arg15[%scan3A_71, %dma_start3A_326, %dma_start3A_327] : memref<2x16x1024xf32, #tpu.memory_space<vmem>> -> memref<1x16x1024xf32, #tpu.memory_space<vmem>>
      %dma_start3A_329 = tpu.memref_squeeze %dma_start3A_328 : memref<1x16x1024xf32, #tpu.memory_space<vmem>> -> memref<16x1024xf32, #tpu.memory_space<vmem>>
      tpu.enqueue_dma source(%dma_start3A_329 : memref<16x1024xf32, #tpu.memory_space<vmem>>) target(%dma_start3A_325 : memref<16x1024xf32, #tpu.memory_space<hbm>>) target_semaphore(%arg21 : memref<!tpu.dma_semaphore, #tpu.memory_space<semaphore_mem>>)
      %add3A_330 = arith.constant 1 : i32
      %add3A_331 = arith.addi %mul3A_101, %add3A_330 : i32
      %lt3A_332 = arith.constant 15 : i32
      %lt3A_333 = arith.cmpi slt, %scan3A_99, %lt3A_332 : i32
      %convert_element_type3A_334 = arith.extui %lt3A_333 : i1 to i32
      %cond3A_335 = arith.constant 0 : i32
      %cond3A_336 = arith.cmpi ne, %convert_element_type3A_334, %cond3A_335 : i32
      scf.if %cond3A_336 {
        %add3A_537 = arith.constant 1 : i32
        %add3A_538 = arith.addi %add3A_331, %add3A_537 : i32
        %jit3A_539 = arith.constant 4 : i32
        %div3A_540 = arith.divsi %add3A_538, %jit3A_539 : i32
        %sign3A_541 = arith.constant 0 : i32
        %sign3A_542 = arith.cmpi sgt, %add3A_538, %sign3A_541 : i32
        %sign3A_543 = arith.extui %sign3A_542 : i1 to i32
        %sign3A_544 = arith.constant 0 : i32
        %sign3A_545 = arith.cmpi slt, %add3A_538, %sign3A_544 : i32
        %sign3A_546 = arith.extui %sign3A_545 : i1 to i32
        %sign3A_547 = arith.subi %sign3A_543, %sign3A_546 : i32
        %sign3A_548 = arith.constant 0 : i32
        %sign3A_549 = arith.cmpi sgt, %jit3A_539, %sign3A_548 : i32
        %sign3A_550 = arith.extui %sign3A_549 : i1 to i32
        %sign3A_551 = arith.constant 0 : i32
        %sign3A_552 = arith.cmpi slt, %jit3A_539, %sign3A_551 : i32
        %sign3A_553 = arith.extui %sign3A_552 : i1 to i32
        %sign3A_554 = arith.subi %sign3A_550, %sign3A_553 : i32
        %ne3A_555 = arith.cmpi ne, %sign3A_547, %sign3A_554 : i32
        %rem3A_556 = arith.remsi %add3A_538, %jit3A_539 : i32
        %ne3A_557 = arith.constant 0 : i32
        %ne3A_558 = arith.cmpi ne, %rem3A_556, %ne3A_557 : i32
        %and3A_559 = arith.andi %ne3A_555, %ne3A_558 : i1
        %sub3A_560 = arith.constant 1 : i32
        %sub3A_561 = arith.subi %div3A_540, %sub3A_560 : i32
        %select_n3A_562 = arith.select %and3A_559, %sub3A_561, %div3A_540 : i32
        %rem3A_563 = arith.constant 4 : i32
        %rem3A_564 = arith.remsi %add3A_538, %rem3A_563 : i32
        %dma_start3A_565 = arith.constant 0 : i32
        %dma_start3A_566 = arith.constant 0 : i32
        %dma_start3A_567 = tpu.memref_slice %arg16[%scan3A_72, %dma_start3A_565, %dma_start3A_566] : memref<2x16x1024xf32, #tpu.memory_space<vmem>> -> memref<1x16x1024xf32, #tpu.memory_space<vmem>>
        %dma_start3A_568 = tpu.memref_squeeze %dma_start3A_567 : memref<1x16x1024xf32, #tpu.memory_space<vmem>> -> memref<16x1024xf32, #tpu.memory_space<vmem>>
        %dma_start3A_569 = arith.constant 0 : i32
        %dma_start3A_570 = tpu.memref_slice %arg12[%rem3A_564, %select_n3A_562, %dma_start3A_569] : memref<4x8x16xi32, #tpu.memory_space<vmem>> -> memref<1x1x16xi32, #tpu.memory_space<vmem>>
        %dma_start3A_571 = tpu.memref_squeeze %dma_start3A_570 : memref<1x1x16xi32, #tpu.memory_space<vmem>> -> memref<16xi32, #tpu.memory_space<vmem>>
        %dma_start3A_572 = arith.constant 0 : i32
        %dma_start3A_573 = arith.constant 0 : i32
        %dma_start3A_574 = tpu.memref_slice %arg7[%dma_start3A_572, %dma_start3A_573] : memref<360x1024xf32, #tpu.memory_space<hbm>> -> memref<360x1024xf32, #tpu.memory_space<hbm>>
        tpu.enqueue_indirect_dma source(%dma_start3A_574 : memref<360x1024xf32, #tpu.memory_space<hbm>>) target(%dma_start3A_568 : memref<16x1024xf32, #tpu.memory_space<vmem>>) offsets(%dma_start3A_571 : memref<16xi32, #tpu.memory_space<vmem>>) semaphore(%arg19 : memref<!tpu.dma_semaphore, #tpu.memory_space<semaphore_mem>>)
        %dma_start3A_575 = arith.constant 0 : i32
        %dma_start3A_576 = arith.constant 0 : i32
        %dma_start3A_577 = tpu.memref_slice %arg17[%scan3A_73, %dma_start3A_575, %dma_start3A_576] : memref<2x16x1024xf32, #tpu.memory_space<vmem>> -> memref<1x16x1024xf32, #tpu.memory_space<vmem>>
        %dma_start3A_578 = tpu.memref_squeeze %dma_start3A_577 : memref<1x16x1024xf32, #tpu.memory_space<vmem>> -> memref<16x1024xf32, #tpu.memory_space<vmem>>
        %dma_start3A_579 = arith.constant 0 : i32
        %dma_start3A_580 = tpu.memref_slice %arg13[%rem3A_564, %select_n3A_562, %dma_start3A_579] : memref<4x8x16xi32, #tpu.memory_space<vmem>> -> memref<1x1x16xi32, #tpu.memory_space<vmem>>
        %dma_start3A_581 = tpu.memref_squeeze %dma_start3A_580 : memref<1x1x16xi32, #tpu.memory_space<vmem>> -> memref<16xi32, #tpu.memory_space<vmem>>
        %dma_start3A_582 = arith.constant 0 : i32
        %dma_start3A_583 = arith.constant 0 : i32
        %dma_start3A_584 = tpu.memref_slice %arg8[%dma_start3A_582, %dma_start3A_583] : memref<1000x1024xf32, #tpu.memory_space<hbm>> -> memref<1000x1024xf32, #tpu.memory_space<hbm>>
        tpu.enqueue_indirect_dma source(%dma_start3A_584 : memref<1000x1024xf32, #tpu.memory_space<hbm>>) target(%dma_start3A_578 : memref<16x1024xf32, #tpu.memory_space<vmem>>) offsets(%dma_start3A_581 : memref<16xi32, #tpu.memory_space<vmem>>) semaphore(%arg19 : memref<!tpu.dma_semaphore, #tpu.memory_space<semaphore_mem>>)
      } else {
      }
      %sub3A_337 = arith.constant 1 : i32
      %sub3A_338 = arith.subi %add3A_331, %sub3A_337 : i32
      %jit3A_339 = arith.constant 4 : i32
      %div3A_340 = arith.divsi %sub3A_338, %jit3A_339 : i32
      %sign3A_341 = arith.constant 0 : i32
      %sign3A_342 = arith.cmpi sgt, %sub3A_338, %sign3A_341 : i32
      %sign3A_343 = arith.extui %sign3A_342 : i1 to i32
      %sign3A_344 = arith.constant 0 : i32
      %sign3A_345 = arith.cmpi slt, %sub3A_338, %sign3A_344 : i32
      %sign3A_346 = arith.extui %sign3A_345 : i1 to i32
      %sign3A_347 = arith.subi %sign3A_343, %sign3A_346 : i32
      %sign3A_348 = arith.constant 0 : i32
      %sign3A_349 = arith.cmpi sgt, %jit3A_339, %sign3A_348 : i32
      %sign3A_350 = arith.extui %sign3A_349 : i1 to i32
      %sign3A_351 = arith.constant 0 : i32
      %sign3A_352 = arith.cmpi slt, %jit3A_339, %sign3A_351 : i32
      %sign3A_353 = arith.extui %sign3A_352 : i1 to i32
      %sign3A_354 = arith.subi %sign3A_350, %sign3A_353 : i32
      %ne3A_355 = arith.cmpi ne, %sign3A_347, %sign3A_354 : i32
      %rem3A_356 = arith.remsi %sub3A_338, %jit3A_339 : i32
      %ne3A_357 = arith.constant 0 : i32
      %ne3A_358 = arith.cmpi ne, %rem3A_356, %ne3A_357 : i32
      %and3A_359 = arith.andi %ne3A_355, %ne3A_358 : i1
      %sub3A_360 = arith.constant 1 : i32
      %sub3A_361 = arith.subi %div3A_340, %sub3A_360 : i32
      %select_n3A_362 = arith.select %and3A_359, %sub3A_361, %div3A_340 : i32
      %rem3A_363 = arith.constant 4 : i32
      %rem3A_364 = arith.remsi %sub3A_338, %rem3A_363 : i32
      %mul3A_365 = arith.constant 4096 : i32
      %mul3A_366 = arith.muli %rem3A_364, %mul3A_365 : i32
      %add3A_367 = arith.addi %mul3A_366, %mul3A_2 : i32
      %mul3A_368 = arith.constant 16 : i32
      %mul3A_369 = arith.muli %select_n3A_362, %mul3A_368 : i32
      %add3A_370 = arith.addi %add3A_367, %mul3A_369 : i32
      %dma_wait3A_371 = arith.constant 0 : i32
      %dma_wait3A_372 = arith.constant 0 : i32
      %dma_wait3A_373 = tpu.memref_slice %arg15[%scan3A_71, %dma_wait3A_371, %dma_wait3A_372] : memref<2x16x1024xf32, #tpu.memory_space<vmem>> -> memref<1x16x1024xf32, #tpu.memory_space<vmem>>
      %dma_wait3A_374 = tpu.memref_squeeze %dma_wait3A_373 : memref<1x16x1024xf32, #tpu.memory_space<vmem>> -> memref<16x1024xf32, #tpu.memory_space<vmem>>
      %dma_wait3A_375 = arith.constant 0 : i32
      %dma_wait3A_376 = tpu.memref_slice %arg10[%add3A_370, %dma_wait3A_375] : memref<16384x1024xf32, #tpu.memory_space<hbm>> -> memref<16x1024xf32, #tpu.memory_space<hbm>>
      %dma_wait3A_377 = arith.constant 0 : i32
      %dma_wait3A_378 = tpu.memref_slice %arg10[%add3A_370, %dma_wait3A_377] : memref<16384x1024xf32, #tpu.memory_space<hbm>> -> memref<16x1024xf32, #tpu.memory_space<hbm>>
      %dma_wait3A_379 = arith.constant 0 : i32
      %dma_wait3A_380 = arith.constant 0 : i32
      %dma_wait3A_381 = tpu.memref_slice %arg15[%scan3A_71, %dma_wait3A_379, %dma_wait3A_380] : memref<2x16x1024xf32, #tpu.memory_space<vmem>> -> memref<1x16x1024xf32, #tpu.memory_space<vmem>>
      %dma_wait3A_382 = tpu.memref_squeeze %dma_wait3A_381 : memref<1x16x1024xf32, #tpu.memory_space<vmem>> -> memref<16x1024xf32, #tpu.memory_space<vmem>>
      tpu.wait_dma2 semaphore(%arg21 : memref<!tpu.dma_semaphore, #tpu.memory_space<semaphore_mem>>) src(%dma_wait3A_382 : memref<16x1024xf32, #tpu.memory_space<vmem>>) dst(%dma_wait3A_378 : memref<16x1024xf32, #tpu.memory_space<hbm>>)
      %lt3A_383 = arith.constant 15 : i32
      %lt3A_384 = arith.cmpi slt, %scan3A_99, %lt3A_383 : i32
      %convert_element_type3A_385 = arith.extui %lt3A_384 : i1 to i32
      %cond3A_386 = arith.constant 0 : i32
      %cond3A_387 = arith.cmpi ne, %convert_element_type3A_385, %cond3A_386 : i32
      scf.if %cond3A_387 {
        %add3A_537 = arith.constant 1 : i32
        %add3A_538 = arith.addi %add3A_331, %add3A_537 : i32
        %jit3A_539 = arith.constant 4 : i32
        %div3A_540 = arith.divsi %add3A_538, %jit3A_539 : i32
        %sign3A_541 = arith.constant 0 : i32
        %sign3A_542 = arith.cmpi sgt, %add3A_538, %sign3A_541 : i32
        %sign3A_543 = arith.extui %sign3A_542 : i1 to i32
        %sign3A_544 = arith.constant 0 : i32
        %sign3A_545 = arith.cmpi slt, %add3A_538, %sign3A_544 : i32
        %sign3A_546 = arith.extui %sign3A_545 : i1 to i32
        %sign3A_547 = arith.subi %sign3A_543, %sign3A_546 : i32
        %sign3A_548 = arith.constant 0 : i32
        %sign3A_549 = arith.cmpi sgt, %jit3A_539, %sign3A_548 : i32
        %sign3A_550 = arith.extui %sign3A_549 : i1 to i32
        %sign3A_551 = arith.constant 0 : i32
        %sign3A_552 = arith.cmpi slt, %jit3A_539, %sign3A_551 : i32
        %sign3A_553 = arith.extui %sign3A_552 : i1 to i32
        %sign3A_554 = arith.subi %sign3A_550, %sign3A_553 : i32
        %ne3A_555 = arith.cmpi ne, %sign3A_547, %sign3A_554 : i32
        %rem3A_556 = arith.remsi %add3A_538, %jit3A_539 : i32
        %ne3A_557 = arith.constant 0 : i32
        %ne3A_558 = arith.cmpi ne, %rem3A_556, %ne3A_557 : i32
        %and3A_559 = arith.andi %ne3A_555, %ne3A_558 : i1
        %sub3A_560 = arith.constant 1 : i32
        %sub3A_561 = arith.subi %div3A_540, %sub3A_560 : i32
        %select_n3A_562 = arith.select %and3A_559, %sub3A_561, %div3A_540 : i32
        %rem3A_563 = arith.constant 4 : i32
        %rem3A_564 = arith.remsi %add3A_538, %rem3A_563 : i32
        %dma_start3A_565 = arith.constant 0 : i32
        %dma_start3A_566 = arith.constant 0 : i32
        %dma_start3A_567 = tpu.memref_slice %arg15[%scan3A_71, %dma_start3A_565, %dma_start3A_566] : memref<2x16x1024xf32, #tpu.memory_space<vmem>> -> memref<1x16x1024xf32, #tpu.memory_space<vmem>>
        %dma_start3A_568 = tpu.memref_squeeze %dma_start3A_567 : memref<1x16x1024xf32, #tpu.memory_space<vmem>> -> memref<16x1024xf32, #tpu.memory_space<vmem>>
        %dma_start3A_569 = arith.constant 0 : i32
        %dma_start3A_570 = tpu.memref_slice %arg11[%rem3A_564, %select_n3A_562, %dma_start3A_569] : memref<4x8x16xi32, #tpu.memory_space<vmem>> -> memref<1x1x16xi32, #tpu.memory_space<vmem>>
        %dma_start3A_571 = tpu.memref_squeeze %dma_start3A_570 : memref<1x1x16xi32, #tpu.memory_space<vmem>> -> memref<16xi32, #tpu.memory_space<vmem>>
        %dma_start3A_572 = arith.constant 0 : i32
        %dma_start3A_573 = arith.constant 0 : i32
        %dma_start3A_574 = tpu.memref_slice %arg6[%dma_start3A_572, %dma_start3A_573] : memref<100x1024xf32, #tpu.memory_space<hbm>> -> memref<100x1024xf32, #tpu.memory_space<hbm>>
        tpu.enqueue_indirect_dma source(%dma_start3A_574 : memref<100x1024xf32, #tpu.memory_space<hbm>>) target(%dma_start3A_568 : memref<16x1024xf32, #tpu.memory_space<vmem>>) offsets(%dma_start3A_571 : memref<16xi32, #tpu.memory_space<vmem>>) semaphore(%arg19 : memref<!tpu.dma_semaphore, #tpu.memory_space<semaphore_mem>>)
      } else {
      }
      %rem3A_388 = arith.constant 4 : i32
      %rem3A_389 = arith.remsi %add3A_331, %rem3A_388 : i32
      %eq3A_390 = arith.constant 0 : i32
      %eq3A_391 = arith.cmpi eq, %rem3A_389, %eq3A_390 : i32
      %convert_element_type3A_392 = arith.extui %eq3A_391 : i1 to i32
      %cond3A_393 = arith.constant 0 : i32
      %cond3A_394 = arith.cmpi ne, %convert_element_type3A_392, %cond3A_393 : i32
      scf.if %cond3A_394 {
        %jit3A_537 = arith.constant 4 : i32
        %div3A_538 = arith.divsi %add3A_331, %jit3A_537 : i32
        %sign3A_539 = arith.constant 0 : i32
        %sign3A_540 = arith.cmpi sgt, %add3A_331, %sign3A_539 : i32
        %sign3A_541 = arith.extui %sign3A_540 : i1 to i32
        %sign3A_542 = arith.constant 0 : i32
        %sign3A_543 = arith.cmpi slt, %add3A_331, %sign3A_542 : i32
        %sign3A_544 = arith.extui %sign3A_543 : i1 to i32
        %sign3A_545 = arith.subi %sign3A_541, %sign3A_544 : i32
        %sign3A_546 = arith.constant 0 : i32
        %sign3A_547 = arith.cmpi sgt, %jit3A_537, %sign3A_546 : i32
        %sign3A_548 = arith.extui %sign3A_547 : i1 to i32
        %sign3A_549 = arith.constant 0 : i32
        %sign3A_550 = arith.cmpi slt, %jit3A_537, %sign3A_549 : i32
        %sign3A_551 = arith.extui %sign3A_550 : i1 to i32
        %sign3A_552 = arith.subi %sign3A_548, %sign3A_551 : i32
        %ne3A_553 = arith.cmpi ne, %sign3A_545, %sign3A_552 : i32
        %rem3A_554 = arith.remsi %add3A_331, %jit3A_537 : i32
        %ne3A_555 = arith.constant 0 : i32
        %ne3A_556 = arith.cmpi ne, %rem3A_554, %ne3A_555 : i32
        %and3A_557 = arith.andi %ne3A_553, %ne3A_556 : i1
        %sub3A_558 = arith.constant 1 : i32
        %sub3A_559 = arith.subi %div3A_538, %sub3A_558 : i32
        %select_n3A_560 = arith.select %and3A_557, %sub3A_559, %div3A_538 : i32
        %mul3A_561 = arith.constant 16 : i32
        %mul3A_562 = arith.muli %select_n3A_560, %mul3A_561 : i32
        %add3A_563 = arith.addi %mul3A_2, %mul3A_562 : i32
        %dma_wait3A_564 = arith.constant 0 : i32
        %dma_wait3A_565 = tpu.memref_slice %arg5[%add3A_563, %dma_wait3A_564] : memref<5000x1024xf32, #tpu.memory_space<hbm>> -> memref<16x1024xf32, #tpu.memory_space<hbm>>
        %dma_wait3A_566 = arith.constant 0 : i32
        %dma_wait3A_567 = tpu.memref_slice %arg5[%add3A_563, %dma_wait3A_566] : memref<5000x1024xf32, #tpu.memory_space<hbm>> -> memref<16x1024xf32, #tpu.memory_space<hbm>>
        tpu.wait_dma2 semaphore(%arg23 : memref<!tpu.dma_semaphore, #tpu.memory_space<semaphore_mem>>) src(%dma_wait3A_567 : memref<16x1024xf32, #tpu.memory_space<hbm>>) dst(%arg14 : memref<16x1024xf32, #tpu.memory_space<vmem>>)
      } else {
      }
      %jit3A_395 = arith.constant 4 : i32
      %div3A_396 = arith.divsi %add3A_331, %jit3A_395 : i32
      %sign3A_397 = arith.constant 0 : i32
      %sign3A_398 = arith.cmpi sgt, %add3A_331, %sign3A_397 : i32
      %sign3A_399 = arith.extui %sign3A_398 : i1 to i32
      %sign3A_400 = arith.constant 0 : i32
      %sign3A_401 = arith.cmpi slt, %add3A_331, %sign3A_400 : i32
      %sign3A_402 = arith.extui %sign3A_401 : i1 to i32
      %sign3A_403 = arith.subi %sign3A_399, %sign3A_402 : i32
      %sign3A_404 = arith.constant 0 : i32
      %sign3A_405 = arith.cmpi sgt, %jit3A_395, %sign3A_404 : i32
      %sign3A_406 = arith.extui %sign3A_405 : i1 to i32
      %sign3A_407 = arith.constant 0 : i32
      %sign3A_408 = arith.cmpi slt, %jit3A_395, %sign3A_407 : i32
      %sign3A_409 = arith.extui %sign3A_408 : i1 to i32
      %sign3A_410 = arith.subi %sign3A_406, %sign3A_409 : i32
      %ne3A_411 = arith.cmpi ne, %sign3A_403, %sign3A_410 : i32
      %rem3A_412 = arith.remsi %add3A_331, %jit3A_395 : i32
      %ne3A_413 = arith.constant 0 : i32
      %ne3A_414 = arith.cmpi ne, %rem3A_412, %ne3A_413 : i32
      %and3A_415 = arith.andi %ne3A_411, %ne3A_414 : i1
      %sub3A_416 = arith.constant 1 : i32
      %sub3A_417 = arith.subi %div3A_396, %sub3A_416 : i32
      %select_n3A_418 = arith.select %and3A_415, %sub3A_417, %div3A_396 : i32
      %rem3A_419 = arith.constant 4 : i32
      %rem3A_420 = arith.remsi %add3A_331, %rem3A_419 : i32
      %dma_wait3A_421 = arith.constant 0 : i32
      %dma_wait3A_422 = arith.constant 0 : i32
      %dma_wait3A_423 = tpu.memref_slice %arg15[%scan3A_70, %dma_wait3A_421, %dma_wait3A_422] : memref<2x16x1024xf32, #tpu.memory_space<vmem>> -> memref<1x16x1024xf32, #tpu.memory_space<vmem>>
      %dma_wait3A_424 = tpu.memref_squeeze %dma_wait3A_423 : memref<1x16x1024xf32, #tpu.memory_space<vmem>> -> memref<16x1024xf32, #tpu.memory_space<vmem>>
      %dma_wait3A_425 = arith.constant 0 : i32
      %dma_wait3A_426 = tpu.memref_slice %arg11[%rem3A_420, %select_n3A_418, %dma_wait3A_425] : memref<4x8x16xi32, #tpu.memory_space<vmem>> -> memref<1x1x16xi32, #tpu.memory_space<vmem>>
      %dma_wait3A_427 = tpu.memref_squeeze %dma_wait3A_426 : memref<1x1x16xi32, #tpu.memory_space<vmem>> -> memref<16xi32, #tpu.memory_space<vmem>>
      %dma_wait3A_428 = arith.constant 0 : i32
      %dma_wait3A_429 = arith.constant 0 : i32
      %dma_wait3A_430 = tpu.memref_slice %arg6[%dma_wait3A_428, %dma_wait3A_429] : memref<100x1024xf32, #tpu.memory_space<hbm>> -> memref<100x1024xf32, #tpu.memory_space<hbm>>
      tpu.wait_indirect_dma semaphore(%arg20 : memref<!tpu.dma_semaphore, #tpu.memory_space<semaphore_mem>>) src(%dma_wait3A_430 : memref<100x1024xf32, #tpu.memory_space<hbm>>) dst(%dma_wait3A_424 : memref<16x1024xf32, #tpu.memory_space<vmem>>)
      %dma_wait3A_431 = arith.constant 0 : i32
      %dma_wait3A_432 = arith.constant 0 : i32
      %dma_wait3A_433 = tpu.memref_slice %arg16[%scan3A_68, %dma_wait3A_431, %dma_wait3A_432] : memref<2x16x1024xf32, #tpu.memory_space<vmem>> -> memref<1x16x1024xf32, #tpu.memory_space<vmem>>
      %dma_wait3A_434 = tpu.memref_squeeze %dma_wait3A_433 : memref<1x16x1024xf32, #tpu.memory_space<vmem>> -> memref<16x1024xf32, #tpu.memory_space<vmem>>
      %dma_wait3A_435 = arith.constant 0 : i32
      %dma_wait3A_436 = tpu.memref_slice %arg12[%rem3A_420, %select_n3A_418, %dma_wait3A_435] : memref<4x8x16xi32, #tpu.memory_space<vmem>> -> memref<1x1x16xi32, #tpu.memory_space<vmem>>
      %dma_wait3A_437 = tpu.memref_squeeze %dma_wait3A_436 : memref<1x1x16xi32, #tpu.memory_space<vmem>> -> memref<16xi32, #tpu.memory_space<vmem>>
      %dma_wait3A_438 = arith.constant 0 : i32
      %dma_wait3A_439 = arith.constant 0 : i32
      %dma_wait3A_440 = tpu.memref_slice %arg7[%dma_wait3A_438, %dma_wait3A_439] : memref<360x1024xf32, #tpu.memory_space<hbm>> -> memref<360x1024xf32, #tpu.memory_space<hbm>>
      tpu.wait_indirect_dma semaphore(%arg20 : memref<!tpu.dma_semaphore, #tpu.memory_space<semaphore_mem>>) src(%dma_wait3A_440 : memref<360x1024xf32, #tpu.memory_space<hbm>>) dst(%dma_wait3A_434 : memref<16x1024xf32, #tpu.memory_space<vmem>>)
      %dma_wait3A_441 = arith.constant 0 : i32
      %dma_wait3A_442 = arith.constant 0 : i32
      %dma_wait3A_443 = tpu.memref_slice %arg17[%scan3A_69, %dma_wait3A_441, %dma_wait3A_442] : memref<2x16x1024xf32, #tpu.memory_space<vmem>> -> memref<1x16x1024xf32, #tpu.memory_space<vmem>>
      %dma_wait3A_444 = tpu.memref_squeeze %dma_wait3A_443 : memref<1x16x1024xf32, #tpu.memory_space<vmem>> -> memref<16x1024xf32, #tpu.memory_space<vmem>>
      %dma_wait3A_445 = arith.constant 0 : i32
      %dma_wait3A_446 = tpu.memref_slice %arg13[%rem3A_420, %select_n3A_418, %dma_wait3A_445] : memref<4x8x16xi32, #tpu.memory_space<vmem>> -> memref<1x1x16xi32, #tpu.memory_space<vmem>>
      %dma_wait3A_447 = tpu.memref_squeeze %dma_wait3A_446 : memref<1x1x16xi32, #tpu.memory_space<vmem>> -> memref<16xi32, #tpu.memory_space<vmem>>
      %dma_wait3A_448 = arith.constant 0 : i32
      %dma_wait3A_449 = arith.constant 0 : i32
      %dma_wait3A_450 = tpu.memref_slice %arg8[%dma_wait3A_448, %dma_wait3A_449] : memref<1000x1024xf32, #tpu.memory_space<hbm>> -> memref<1000x1024xf32, #tpu.memory_space<hbm>>
      tpu.wait_indirect_dma semaphore(%arg20 : memref<!tpu.dma_semaphore, #tpu.memory_space<semaphore_mem>>) src(%dma_wait3A_450 : memref<1000x1024xf32, #tpu.memory_space<hbm>>) dst(%dma_wait3A_444 : memref<16x1024xf32, #tpu.memory_space<vmem>>)
      %scan3A_451 = arith.constant 0 : i32
      %scan3A_452 = arith.constant 0 : i32
      %scan3A_453 = arith.constant 16 : i32
      %scan3A_454 = arith.addi %scan3A_452, %scan3A_453 : i32
      %scan3A_455 = arith.constant 1 : i32
      scf.for %scan3A_537 = %scan3A_452 to %scan3A_454 step %scan3A_455  : i32 {
        %scan3A_538 = arith.constant 0 : i32
        %scan3A_539 = arith.constant 16 : i32
        %scan3A_540 = arith.addi %scan3A_538, %scan3A_539 : i32
        %scan3A_541 = arith.constant 1 : i32
        scf.for %scan3A_543 = %scan3A_538 to %scan3A_540 step %scan3A_541  : i32 {
          %mul3A_544 = arith.constant 4 : i32
          %mul3A_545 = arith.muli %scan3A_543, %mul3A_544 : i32
          %add3A_546 = arith.constant 0 : i32
          %add3A_547 = arith.addi %mul3A_545, %add3A_546 : i32
          %mul3A_548 = arith.constant 16 : i32
          %mul3A_549 = arith.muli %add3A_547, %mul3A_548 : i32
          %get3A_550 = arith.index_cast %scan3A_537 : i32 to index
          %get3A_551 = arith.index_cast %mul3A_549 : i32 to index
          %get3A_552 = tpu.vector_load %arg14[%get3A_550, %get3A_551] {strides = array<i32>} : memref<16x1024xf32, #tpu.memory_space<vmem>>, vector<1x16xf32>,
          %get3A_553 = vector.shape_cast %get3A_552 : vector<1x16xf32> to vector<16xf32>
          %mul3A_554 = arith.mulf %get3A_553, %get3A_6 : vector<16xf32>
          %get3A_555 = arith.constant 0 : i32
          %get3A_556 = arith.constant 0 : i32
          %get3A_557 = tpu.memref_slice %arg15[%scan3A_70, %get3A_555, %get3A_556] : memref<2x16x1024xf32, #tpu.memory_space<vmem>> -> memref<1x16x1024xf32, #tpu.memory_space<vmem>>
          %get3A_558 = tpu.memref_squeeze %get3A_557 : memref<1x16x1024xf32, #tpu.memory_space<vmem>> -> memref<16x1024xf32, #tpu.memory_space<vmem>>
          %get3A_559 = arith.index_cast %scan3A_537 : i32 to index
          %get3A_560 = arith.index_cast %mul3A_549 : i32 to index
          %get3A_561 = tpu.vector_load %get3A_558[%get3A_559, %get3A_560] {strides = array<i32>} : memref<16x1024xf32, #tpu.memory_space<vmem>>, vector<1x16xf32>,
          %get3A_562 = vector.shape_cast %get3A_561 : vector<1x16xf32> to vector<16xf32>
          %mul3A_563 = arith.mulf %get3A_562, %get3A_11 : vector<16xf32>
          %add3A_564 = arith.addf %mul3A_554, %mul3A_563 : vector<16xf32>
          %get3A_565 = arith.constant 0 : i32
          %get3A_566 = arith.constant 0 : i32
          %get3A_567 = tpu.memref_slice %arg16[%scan3A_68, %get3A_565, %get3A_566] : memref<2x16x1024xf32, #tpu.memory_space<vmem>> -> memref<1x16x1024xf32, #tpu.memory_space<vmem>>
          %get3A_568 = tpu.memref_squeeze %get3A_567 : memref<1x16x1024xf32, #tpu.memory_space<vmem>> -> memref<16x1024xf32, #tpu.memory_space<vmem>>
          %get3A_569 = arith.index_cast %scan3A_537 : i32 to index
          %get3A_570 = arith.index_cast %mul3A_549 : i32 to index
          %get3A_571 = tpu.vector_load %get3A_568[%get3A_569, %get3A_570] {strides = array<i32>} : memref<16x1024xf32, #tpu.memory_space<vmem>>, vector<1x16xf32>,
          %get3A_572 = vector.shape_cast %get3A_571 : vector<1x16xf32> to vector<16xf32>
          %mul3A_573 = arith.mulf %get3A_572, %get3A_16 : vector<16xf32>
          %add3A_574 = arith.addf %add3A_564, %mul3A_573 : vector<16xf32>
          %get3A_575 = arith.constant 0 : i32
          %get3A_576 = arith.constant 0 : i32
          %get3A_577 = tpu.memref_slice %arg17[%scan3A_69, %get3A_575, %get3A_576] : memref<2x16x1024xf32, #tpu.memory_space<vmem>> -> memref<1x16x1024xf32, #tpu.memory_space<vmem>>
          %get3A_578 = tpu.memref_squeeze %get3A_577 : memref<1x16x1024xf32, #tpu.memory_space<vmem>> -> memref<16x1024xf32, #tpu.memory_space<vmem>>
          %get3A_579 = arith.index_cast %scan3A_537 : i32 to index
          %get3A_580 = arith.index_cast %mul3A_549 : i32 to index
          %get3A_581 = tpu.vector_load %get3A_578[%get3A_579, %get3A_580] {strides = array<i32>} : memref<16x1024xf32, #tpu.memory_space<vmem>>, vector<1x16xf32>,
          %get3A_582 = vector.shape_cast %get3A_581 : vector<1x16xf32> to vector<16xf32>
          %mul3A_583 = arith.mulf %get3A_582, %get3A_21 : vector<16xf32>
          %add3A_584 = arith.addf %add3A_574, %mul3A_583 : vector<16xf32>
          %swap3A = arith.constant 0 : i32
          %swap3A_585 = arith.constant 0 : i32
          %swap3A_586 = tpu.memref_slice %arg15[%scan3A_70, %swap3A, %swap3A_585] : memref<2x16x1024xf32, #tpu.memory_space<vmem>> -> memref<1x16x1024xf32, #tpu.memory_space<vmem>>
          %swap3A_587 = tpu.memref_squeeze %swap3A_586 : memref<1x16x1024xf32, #tpu.memory_space<vmem>> -> memref<16x1024xf32, #tpu.memory_space<vmem>>
          %swap3A_588 = arith.index_cast %scan3A_537 : i32 to index
          %swap3A_589 = arith.index_cast %mul3A_549 : i32 to index
          %swap3A_590 = tpu.vector_load %swap3A_587[%swap3A_588, %swap3A_589] {strides = array<i32>} : memref<16x1024xf32, #tpu.memory_space<vmem>>, vector<1x16xf32>,
          %swap3A_591 = vector.shape_cast %swap3A_590 : vector<1x16xf32> to vector<16xf32>
          %swap3A_592 = vector.shape_cast %add3A_584 : vector<16xf32> to vector<1x16xf32>
          tpu.vector_store %swap3A_587[%swap3A_588, %swap3A_589], %swap3A_592 {strides = array<i32>} : memref<16x1024xf32, #tpu.memory_space<vmem>>, vector<1x16xf32>,
          %mul3A_593 = arith.constant 4 : i32
          %mul3A_594 = arith.muli %scan3A_543, %mul3A_593 : i32
          %add3A_595 = arith.constant 1 : i32
          %add3A_596 = arith.addi %mul3A_594, %add3A_595 : i32
          %mul3A_597 = arith.constant 16 : i32
          %mul3A_598 = arith.muli %add3A_596, %mul3A_597 : i32
          %get3A_599 = arith.index_cast %scan3A_537 : i32 to index
          %get3A_600 = arith.index_cast %mul3A_598 : i32 to index
          %get3A_601 = tpu.vector_load %arg14[%get3A_599, %get3A_600] {strides = array<i32>} : memref<16x1024xf32, #tpu.memory_space<vmem>>, vector<1x16xf32>,
          %get3A_602 = vector.shape_cast %get3A_601 : vector<1x16xf32> to vector<16xf32>
          %mul3A_603 = arith.mulf %get3A_602, %get3A_6 : vector<16xf32>
          %get3A_604 = arith.constant 0 : i32
          %get3A_605 = arith.constant 0 : i32
          %get3A_606 = tpu.memref_slice %arg15[%scan3A_70, %get3A_604, %get3A_605] : memref<2x16x1024xf32, #tpu.memory_space<vmem>> -> memref<1x16x1024xf32, #tpu.memory_space<vmem>>
          %get3A_607 = tpu.memref_squeeze %get3A_606 : memref<1x16x1024xf32, #tpu.memory_space<vmem>> -> memref<16x1024xf32, #tpu.memory_space<vmem>>
          %get3A_608 = arith.index_cast %scan3A_537 : i32 to index
          %get3A_609 = arith.index_cast %mul3A_598 : i32 to index
          %get3A_610 = tpu.vector_load %get3A_607[%get3A_608, %get3A_609] {strides = array<i32>} : memref<16x1024xf32, #tpu.memory_space<vmem>>, vector<1x16xf32>,
          %get3A_611 = vector.shape_cast %get3A_610 : vector<1x16xf32> to vector<16xf32>
          %mul3A_612 = arith.mulf %get3A_611, %get3A_11 : vector<16xf32>
          %add3A_613 = arith.addf %mul3A_603, %mul3A_612 : vector<16xf32>
          %get3A_614 = arith.constant 0 : i32
          %get3A_615 = arith.constant 0 : i32
          %get3A_616 = tpu.memref_slice %arg16[%scan3A_68, %get3A_614, %get3A_615] : memref<2x16x1024xf32, #tpu.memory_space<vmem>> -> memref<1x16x1024xf32, #tpu.memory_space<vmem>>
          %get3A_617 = tpu.memref_squeeze %get3A_616 : memref<1x16x1024xf32, #tpu.memory_space<vmem>> -> memref<16x1024xf32, #tpu.memory_space<vmem>>
          %get3A_618 = arith.index_cast %scan3A_537 : i32 to index
          %get3A_619 = arith.index_cast %mul3A_598 : i32 to index
          %get3A_620 = tpu.vector_load %get3A_617[%get3A_618, %get3A_619] {strides = array<i32>} : memref<16x1024xf32, #tpu.memory_space<vmem>>, vector<1x16xf32>,
          %get3A_621 = vector.shape_cast %get3A_620 : vector<1x16xf32> to vector<16xf32>
          %mul3A_622 = arith.mulf %get3A_621, %get3A_16 : vector<16xf32>
          %add3A_623 = arith.addf %add3A_613, %mul3A_622 : vector<16xf32>
          %get3A_624 = arith.constant 0 : i32
          %get3A_625 = arith.constant 0 : i32
          %get3A_626 = tpu.memref_slice %arg17[%scan3A_69, %get3A_624, %get3A_625] : memref<2x16x1024xf32, #tpu.memory_space<vmem>> -> memref<1x16x1024xf32, #tpu.memory_space<vmem>>
          %get3A_627 = tpu.memref_squeeze %get3A_626 : memref<1x16x1024xf32, #tpu.memory_space<vmem>> -> memref<16x1024xf32, #tpu.memory_space<vmem>>
          %get3A_628 = arith.index_cast %scan3A_537 : i32 to index
          %get3A_629 = arith.index_cast %mul3A_598 : i32 to index
          %get3A_630 = tpu.vector_load %get3A_627[%get3A_628, %get3A_629] {strides = array<i32>} : memref<16x1024xf32, #tpu.memory_space<vmem>>, vector<1x16xf32>,
          %get3A_631 = vector.shape_cast %get3A_630 : vector<1x16xf32> to vector<16xf32>
          %mul3A_632 = arith.mulf %get3A_631, %get3A_21 : vector<16xf32>
          %add3A_633 = arith.addf %add3A_623, %mul3A_632 : vector<16xf32>
          %swap3A_634 = arith.constant 0 : i32
          %swap3A_635 = arith.constant 0 : i32
          %swap3A_636 = tpu.memref_slice %arg15[%scan3A_70, %swap3A_634, %swap3A_635] : memref<2x16x1024xf32, #tpu.memory_space<vmem>> -> memref<1x16x1024xf32, #tpu.memory_space<vmem>>
          %swap3A_637 = tpu.memref_squeeze %swap3A_636 : memref<1x16x1024xf32, #tpu.memory_space<vmem>> -> memref<16x1024xf32, #tpu.memory_space<vmem>>
          %swap3A_638 = arith.index_cast %scan3A_537 : i32 to index
          %swap3A_639 = arith.index_cast %mul3A_598 : i32 to index
          %swap3A_640 = tpu.vector_load %swap3A_637[%swap3A_638, %swap3A_639] {strides = array<i32>} : memref<16x1024xf32, #tpu.memory_space<vmem>>, vector<1x16xf32>,
          %swap3A_641 = vector.shape_cast %swap3A_640 : vector<1x16xf32> to vector<16xf32>
          %swap3A_642 = vector.shape_cast %add3A_633 : vector<16xf32> to vector<1x16xf32>
          tpu.vector_store %swap3A_637[%swap3A_638, %swap3A_639], %swap3A_642 {strides = array<i32>} : memref<16x1024xf32, #tpu.memory_space<vmem>>, vector<1x16xf32>,
          %mul3A_643 = arith.constant 4 : i32
          %mul3A_644 = arith.muli %scan3A_543, %mul3A_643 : i32
          %add3A_645 = arith.constant 2 : i32
          %add3A_646 = arith.addi %mul3A_644, %add3A_645 : i32
          %mul3A_647 = arith.constant 16 : i32
          %mul3A_648 = arith.muli %add3A_646, %mul3A_647 : i32
          %get3A_649 = arith.index_cast %scan3A_537 : i32 to index
          %get3A_650 = arith.index_cast %mul3A_648 : i32 to index
          %get3A_651 = tpu.vector_load %arg14[%get3A_649, %get3A_650] {strides = array<i32>} : memref<16x1024xf32, #tpu.memory_space<vmem>>, vector<1x16xf32>,
          %get3A_652 = vector.shape_cast %get3A_651 : vector<1x16xf32> to vector<16xf32>
          %mul3A_653 = arith.mulf %get3A_652, %get3A_6 : vector<16xf32>
          %get3A_654 = arith.constant 0 : i32
          %get3A_655 = arith.constant 0 : i32
          %get3A_656 = tpu.memref_slice %arg15[%scan3A_70, %get3A_654, %get3A_655] : memref<2x16x1024xf32, #tpu.memory_space<vmem>> -> memref<1x16x1024xf32, #tpu.memory_space<vmem>>
          %get3A_657 = tpu.memref_squeeze %get3A_656 : memref<1x16x1024xf32, #tpu.memory_space<vmem>> -> memref<16x1024xf32, #tpu.memory_space<vmem>>
          %get3A_658 = arith.index_cast %scan3A_537 : i32 to index
          %get3A_659 = arith.index_cast %mul3A_648 : i32 to index
          %get3A_660 = tpu.vector_load %get3A_657[%get3A_658, %get3A_659] {strides = array<i32>} : memref<16x1024xf32, #tpu.memory_space<vmem>>, vector<1x16xf32>,
          %get3A_661 = vector.shape_cast %get3A_660 : vector<1x16xf32> to vector<16xf32>
          %mul3A_662 = arith.mulf %get3A_661, %get3A_11 : vector<16xf32>
          %add3A_663 = arith.addf %mul3A_653, %mul3A_662 : vector<16xf32>
          %get3A_664 = arith.constant 0 : i32
          %get3A_665 = arith.constant 0 : i32
          %get3A_666 = tpu.memref_slice %arg16[%scan3A_68, %get3A_664, %get3A_665] : memref<2x16x1024xf32, #tpu.memory_space<vmem>> -> memref<1x16x1024xf32, #tpu.memory_space<vmem>>
          %get3A_667 = tpu.memref_squeeze %get3A_666 : memref<1x16x1024xf32, #tpu.memory_space<vmem>> -> memref<16x1024xf32, #tpu.memory_space<vmem>>
          %get3A_668 = arith.index_cast %scan3A_537 : i32 to index
          %get3A_669 = arith.index_cast %mul3A_648 : i32 to index
          %get3A_670 = tpu.vector_load %get3A_667[%get3A_668, %get3A_669] {strides = array<i32>} : memref<16x1024xf32, #tpu.memory_space<vmem>>, vector<1x16xf32>,
          %get3A_671 = vector.shape_cast %get3A_670 : vector<1x16xf32> to vector<16xf32>
          %mul3A_672 = arith.mulf %get3A_671, %get3A_16 : vector<16xf32>
          %add3A_673 = arith.addf %add3A_663, %mul3A_672 : vector<16xf32>
          %get3A_674 = arith.constant 0 : i32
          %get3A_675 = arith.constant 0 : i32
          %get3A_676 = tpu.memref_slice %arg17[%scan3A_69, %get3A_674, %get3A_675] : memref<2x16x1024xf32, #tpu.memory_space<vmem>> -> memref<1x16x1024xf32, #tpu.memory_space<vmem>>
          %get3A_677 = tpu.memref_squeeze %get3A_676 : memref<1x16x1024xf32, #tpu.memory_space<vmem>> -> memref<16x1024xf32, #tpu.memory_space<vmem>>
          %get3A_678 = arith.index_cast %scan3A_537 : i32 to index
          %get3A_679 = arith.index_cast %mul3A_648 : i32 to index
          %get3A_680 = tpu.vector_load %get3A_677[%get3A_678, %get3A_679] {strides = array<i32>} : memref<16x1024xf32, #tpu.memory_space<vmem>>, vector<1x16xf32>,
          %get3A_681 = vector.shape_cast %get3A_680 : vector<1x16xf32> to vector<16xf32>
          %mul3A_682 = arith.mulf %get3A_681, %get3A_21 : vector<16xf32>
          %add3A_683 = arith.addf %add3A_673, %mul3A_682 : vector<16xf32>
          %swap3A_684 = arith.constant 0 : i32
          %swap3A_685 = arith.constant 0 : i32
          %swap3A_686 = tpu.memref_slice %arg15[%scan3A_70, %swap3A_684, %swap3A_685] : memref<2x16x1024xf32, #tpu.memory_space<vmem>> -> memref<1x16x1024xf32, #tpu.memory_space<vmem>>
          %swap3A_687 = tpu.memref_squeeze %swap3A_686 : memref<1x16x1024xf32, #tpu.memory_space<vmem>> -> memref<16x1024xf32, #tpu.memory_space<vmem>>
          %swap3A_688 = arith.index_cast %scan3A_537 : i32 to index
          %swap3A_689 = arith.index_cast %mul3A_648 : i32 to index
          %swap3A_690 = tpu.vector_load %swap3A_687[%swap3A_688, %swap3A_689] {strides = array<i32>} : memref<16x1024xf32, #tpu.memory_space<vmem>>, vector<1x16xf32>,
          %swap3A_691 = vector.shape_cast %swap3A_690 : vector<1x16xf32> to vector<16xf32>
          %swap3A_692 = vector.shape_cast %add3A_683 : vector<16xf32> to vector<1x16xf32>
          tpu.vector_store %swap3A_687[%swap3A_688, %swap3A_689], %swap3A_692 {strides = array<i32>} : memref<16x1024xf32, #tpu.memory_space<vmem>>, vector<1x16xf32>,
          %mul3A_693 = arith.constant 4 : i32
          %mul3A_694 = arith.muli %scan3A_543, %mul3A_693 : i32
          %add3A_695 = arith.constant 3 : i32
          %add3A_696 = arith.addi %mul3A_694, %add3A_695 : i32
          %mul3A_697 = arith.constant 16 : i32
          %mul3A_698 = arith.muli %add3A_696, %mul3A_697 : i32
          %get3A_699 = arith.index_cast %scan3A_537 : i32 to index
          %get3A_700 = arith.index_cast %mul3A_698 : i32 to index
          %get3A_701 = tpu.vector_load %arg14[%get3A_699, %get3A_700] {strides = array<i32>} : memref<16x1024xf32, #tpu.memory_space<vmem>>, vector<1x16xf32>,
          %get3A_702 = vector.shape_cast %get3A_701 : vector<1x16xf32> to vector<16xf32>
          %mul3A_703 = arith.mulf %get3A_702, %get3A_6 : vector<16xf32>
          %get3A_704 = arith.constant 0 : i32
          %get3A_705 = arith.constant 0 : i32
          %get3A_706 = tpu.memref_slice %arg15[%scan3A_70, %get3A_704, %get3A_705] : memref<2x16x1024xf32, #tpu.memory_space<vmem>> -> memref<1x16x1024xf32, #tpu.memory_space<vmem>>
          %get3A_707 = tpu.memref_squeeze %get3A_706 : memref<1x16x1024xf32, #tpu.memory_space<vmem>> -> memref<16x1024xf32, #tpu.memory_space<vmem>>
          %get3A_708 = arith.index_cast %scan3A_537 : i32 to index
          %get3A_709 = arith.index_cast %mul3A_698 : i32 to index
          %get3A_710 = tpu.vector_load %get3A_707[%get3A_708, %get3A_709] {strides = array<i32>} : memref<16x1024xf32, #tpu.memory_space<vmem>>, vector<1x16xf32>,
          %get3A_711 = vector.shape_cast %get3A_710 : vector<1x16xf32> to vector<16xf32>
          %mul3A_712 = arith.mulf %get3A_711, %get3A_11 : vector<16xf32>
          %add3A_713 = arith.addf %mul3A_703, %mul3A_712 : vector<16xf32>
          %get3A_714 = arith.constant 0 : i32
          %get3A_715 = arith.constant 0 : i32
          %get3A_716 = tpu.memref_slice %arg16[%scan3A_68, %get3A_714, %get3A_715] : memref<2x16x1024xf32, #tpu.memory_space<vmem>> -> memref<1x16x1024xf32, #tpu.memory_space<vmem>>
          %get3A_717 = tpu.memref_squeeze %get3A_716 : memref<1x16x1024xf32, #tpu.memory_space<vmem>> -> memref<16x1024xf32, #tpu.memory_space<vmem>>
          %get3A_718 = arith.index_cast %scan3A_537 : i32 to index
          %get3A_719 = arith.index_cast %mul3A_698 : i32 to index
          %get3A_720 = tpu.vector_load %get3A_717[%get3A_718, %get3A_719] {strides = array<i32>} : memref<16x1024xf32, #tpu.memory_space<vmem>>, vector<1x16xf32>,
          %get3A_721 = vector.shape_cast %get3A_720 : vector<1x16xf32> to vector<16xf32>
          %mul3A_722 = arith.mulf %get3A_721, %get3A_16 : vector<16xf32>
          %add3A_723 = arith.addf %add3A_713, %mul3A_722 : vector<16xf32>
          %get3A_724 = arith.constant 0 : i32
          %get3A_725 = arith.constant 0 : i32
          %get3A_726 = tpu.memref_slice %arg17[%scan3A_69, %get3A_724, %get3A_725] : memref<2x16x1024xf32, #tpu.memory_space<vmem>> -> memref<1x16x1024xf32, #tpu.memory_space<vmem>>
          %get3A_727 = tpu.memref_squeeze %get3A_726 : memref<1x16x1024xf32, #tpu.memory_space<vmem>> -> memref<16x1024xf32, #tpu.memory_space<vmem>>
          %get3A_728 = arith.index_cast %scan3A_537 : i32 to index
          %get3A_729 = arith.index_cast %mul3A_698 : i32 to index
          %get3A_730 = tpu.vector_load %get3A_727[%get3A_728, %get3A_729] {strides = array<i32>} : memref<16x1024xf32, #tpu.memory_space<vmem>>, vector<1x16xf32>,
          %get3A_731 = vector.shape_cast %get3A_730 : vector<1x16xf32> to vector<16xf32>
          %mul3A_732 = arith.mulf %get3A_731, %get3A_21 : vector<16xf32>
          %add3A_733 = arith.addf %add3A_723, %mul3A_732 : vector<16xf32>
          %swap3A_734 = arith.constant 0 : i32
          %swap3A_735 = arith.constant 0 : i32
          %swap3A_736 = tpu.memref_slice %arg15[%scan3A_70, %swap3A_734, %swap3A_735] : memref<2x16x1024xf32, #tpu.memory_space<vmem>> -> memref<1x16x1024xf32, #tpu.memory_space<vmem>>
          %swap3A_737 = tpu.memref_squeeze %swap3A_736 : memref<1x16x1024xf32, #tpu.memory_space<vmem>> -> memref<16x1024xf32, #tpu.memory_space<vmem>>
          %swap3A_738 = arith.index_cast %scan3A_537 : i32 to index
          %swap3A_739 = arith.index_cast %mul3A_698 : i32 to index
          %swap3A_740 = tpu.vector_load %swap3A_737[%swap3A_738, %swap3A_739] {strides = array<i32>} : memref<16x1024xf32, #tpu.memory_space<vmem>>, vector<1x16xf32>,
          %swap3A_741 = vector.shape_cast %swap3A_740 : vector<1x16xf32> to vector<16xf32>
          %swap3A_742 = vector.shape_cast %add3A_733 : vector<16xf32> to vector<1x16xf32>
          tpu.vector_store %swap3A_737[%swap3A_738, %swap3A_739], %swap3A_742 {strides = array<i32>} : memref<16x1024xf32, #tpu.memory_space<vmem>>, vector<1x16xf32>,
        }
        %scan3A_542 = arith.constant 16 : i32
      }
      %scan3A_456 = arith.constant 16 : i32
      %rem3A_457 = arith.constant 4 : i32
      %rem3A_458 = arith.remsi %add3A_331, %rem3A_457 : i32
      %eq3A_459 = arith.constant 3 : i32
      %eq3A_460 = arith.cmpi eq, %rem3A_458, %eq3A_459 : i32
      %jit3A_461 = arith.constant 4 : i32
      %div3A_462 = arith.divsi %add3A_331, %jit3A_461 : i32
      %sign3A_463 = arith.constant 0 : i32
      %sign3A_464 = arith.cmpi sgt, %add3A_331, %sign3A_463 : i32
      %sign3A_465 = arith.extui %sign3A_464 : i1 to i32
      %sign3A_466 = arith.constant 0 : i32
      %sign3A_467 = arith.cmpi slt, %add3A_331, %sign3A_466 : i32
      %sign3A_468 = arith.extui %sign3A_467 : i1 to i32
      %sign3A_469 = arith.subi %sign3A_465, %sign3A_468 : i32
      %sign3A_470 = arith.constant 0 : i32
      %sign3A_471 = arith.cmpi sgt, %jit3A_461, %sign3A_470 : i32
      %sign3A_472 = arith.extui %sign3A_471 : i1 to i32
      %sign3A_473 = arith.constant 0 : i32
      %sign3A_474 = arith.cmpi slt, %jit3A_461, %sign3A_473 : i32
      %sign3A_475 = arith.extui %sign3A_474 : i1 to i32
      %sign3A_476 = arith.subi %sign3A_472, %sign3A_475 : i32
      %ne3A_477 = arith.cmpi ne, %sign3A_469, %sign3A_476 : i32
      %rem3A_478 = arith.remsi %add3A_331, %jit3A_461 : i32
      %ne3A_479 = arith.constant 0 : i32
      %ne3A_480 = arith.cmpi ne, %rem3A_478, %ne3A_479 : i32
      %and3A_481 = arith.andi %ne3A_477, %ne3A_480 : i1
      %sub3A_482 = arith.constant 1 : i32
      %sub3A_483 = arith.subi %div3A_462, %sub3A_482 : i32
      %select_n3A_484 = arith.select %and3A_481, %sub3A_483, %div3A_462 : i32
      %add3A_485 = arith.constant 1 : i32
      %add3A_486 = arith.addi %select_n3A_484, %add3A_485 : i32
      %lt3A_487 = arith.constant 8 : i32
      %lt3A_488 = arith.cmpi slt, %add3A_486, %lt3A_487 : i32
      %and3A_489 = arith.andi %eq3A_460, %lt3A_488 : i1
      %convert_element_type3A_490 = arith.extui %and3A_489 : i1 to i32
      %cond3A_491 = arith.constant 0 : i32
      %cond3A_492 = arith.cmpi ne, %convert_element_type3A_490, %cond3A_491 : i32
      scf.if %cond3A_492 {
        %jit3A_537 = arith.constant 4 : i32
        %div3A_538 = arith.divsi %add3A_331, %jit3A_537 : i32
        %sign3A_539 = arith.constant 0 : i32
        %sign3A_540 = arith.cmpi sgt, %add3A_331, %sign3A_539 : i32
        %sign3A_541 = arith.extui %sign3A_540 : i1 to i32
        %sign3A_542 = arith.constant 0 : i32
        %sign3A_543 = arith.cmpi slt, %add3A_331, %sign3A_542 : i32
        %sign3A_544 = arith.extui %sign3A_543 : i1 to i32
        %sign3A_545 = arith.subi %sign3A_541, %sign3A_544 : i32
        %sign3A_546 = arith.constant 0 : i32
        %sign3A_547 = arith.cmpi sgt, %jit3A_537, %sign3A_546 : i32
        %sign3A_548 = arith.extui %sign3A_547 : i1 to i32
        %sign3A_549 = arith.constant 0 : i32
        %sign3A_550 = arith.cmpi slt, %jit3A_537, %sign3A_549 : i32
        %sign3A_551 = arith.extui %sign3A_550 : i1 to i32
        %sign3A_552 = arith.subi %sign3A_548, %sign3A_551 : i32
        %ne3A_553 = arith.cmpi ne, %sign3A_545, %sign3A_552 : i32
        %rem3A_554 = arith.remsi %add3A_331, %jit3A_537 : i32
        %ne3A_555 = arith.constant 0 : i32
        %ne3A_556 = arith.cmpi ne, %rem3A_554, %ne3A_555 : i32
        %and3A_557 = arith.andi %ne3A_553, %ne3A_556 : i1
        %sub3A_558 = arith.constant 1 : i32
        %sub3A_559 = arith.subi %div3A_538, %sub3A_558 : i32
        %select_n3A_560 = arith.select %and3A_557, %sub3A_559, %div3A_538 : i32
        %add3A_561 = arith.constant 1 : i32
        %add3A_562 = arith.addi %select_n3A_560, %add3A_561 : i32
        %mul3A_563 = arith.constant 16 : i32
        %mul3A_564 = arith.muli %add3A_562, %mul3A_563 : i32
        %add3A_565 = arith.addi %mul3A_2, %mul3A_564 : i32
        %dma_start3A_566 = arith.constant 0 : i32
        %dma_start3A_567 = tpu.memref_slice %arg5[%add3A_565, %dma_start3A_566] : memref<5000x1024xf32, #tpu.memory_space<hbm>> -> memref<16x1024xf32, #tpu.memory_space<hbm>>
        %dma_start3A_568 = arith.constant 0 : i32
        %dma_start3A_569 = tpu.memref_slice %arg5[%add3A_565, %dma_start3A_568] : memref<5000x1024xf32, #tpu.memory_space<hbm>> -> memref<16x1024xf32, #tpu.memory_space<hbm>>
        tpu.enqueue_dma source(%dma_start3A_569 : memref<16x1024xf32, #tpu.memory_space<hbm>>) target(%arg14 : memref<16x1024xf32, #tpu.memory_space<vmem>>) target_semaphore(%arg23 : memref<!tpu.dma_semaphore, #tpu.memory_space<semaphore_mem>>)
      } else {
      }
      %jit3A_493 = arith.constant 4 : i32
      %div3A_494 = arith.divsi %add3A_331, %jit3A_493 : i32
      %sign3A_495 = arith.constant 0 : i32
      %sign3A_496 = arith.cmpi sgt, %add3A_331, %sign3A_495 : i32
      %sign3A_497 = arith.extui %sign3A_496 : i1 to i32
      %sign3A_498 = arith.constant 0 : i32
      %sign3A_499 = arith.cmpi slt, %add3A_331, %sign3A_498 : i32
      %sign3A_500 = arith.extui %sign3A_499 : i1 to i32
      %sign3A_501 = arith.subi %sign3A_497, %sign3A_500 : i32
      %sign3A_502 = arith.constant 0 : i32
      %sign3A_503 = arith.cmpi sgt, %jit3A_493, %sign3A_502 : i32
      %sign3A_504 = arith.extui %sign3A_503 : i1 to i32
      %sign3A_505 = arith.constant 0 : i32
      %sign3A_506 = arith.cmpi slt, %jit3A_493, %sign3A_505 : i32
      %sign3A_507 = arith.extui %sign3A_506 : i1 to i32
      %sign3A_508 = arith.subi %sign3A_504, %sign3A_507 : i32
      %ne3A_509 = arith.cmpi ne, %sign3A_501, %sign3A_508 : i32
      %rem3A_510 = arith.remsi %add3A_331, %jit3A_493 : i32
      %ne3A_511 = arith.constant 0 : i32
      %ne3A_512 = arith.cmpi ne, %rem3A_510, %ne3A_511 : i32
      %and3A_513 = arith.andi %ne3A_509, %ne3A_512 : i1
      %sub3A_514 = arith.constant 1 : i32
      %sub3A_515 = arith.subi %div3A_494, %sub3A_514 : i32
      %select_n3A_516 = arith.select %and3A_513, %sub3A_515, %div3A_494 : i32
      %rem3A_517 = arith.constant 4 : i32
      %rem3A_518 = arith.remsi %add3A_331, %rem3A_517 : i32
      %mul3A_519 = arith.constant 4096 : i32
      %mul3A_520 = arith.muli %rem3A_518, %mul3A_519 : i32
      %add3A_521 = arith.addi %mul3A_520, %mul3A_2 : i32
      %mul3A_522 = arith.constant 16 : i32
      %mul3A_523 = arith.muli %select_n3A_516, %mul3A_522 : i32
      %add3A_524 = arith.addi %add3A_521, %mul3A_523 : i32
      %dma_start3A_525 = arith.constant 0 : i32
      %dma_start3A_526 = arith.constant 0 : i32
      %dma_start3A_527 = tpu.memref_slice %arg15[%scan3A_70, %dma_start3A_525, %dma_start3A_526] : memref<2x16x1024xf32, #tpu.memory_space<vmem>> -> memref<1x16x1024xf32, #tpu.memory_space<vmem>>
      %dma_start3A_528 = tpu.memref_squeeze %dma_start3A_527 : memref<1x16x1024xf32, #tpu.memory_space<vmem>> -> memref<16x1024xf32, #tpu.memory_space<vmem>>
      %dma_start3A_529 = arith.constant 0 : i32
      %dma_start3A_530 = tpu.memref_slice %arg10[%add3A_524, %dma_start3A_529] : memref<16384x1024xf32, #tpu.memory_space<hbm>> -> memref<16x1024xf32, #tpu.memory_space<hbm>>
      %dma_start3A_531 = arith.constant 0 : i32
      %dma_start3A_532 = tpu.memref_slice %arg10[%add3A_524, %dma_start3A_531] : memref<16384x1024xf32, #tpu.memory_space<hbm>> -> memref<16x1024xf32, #tpu.memory_space<hbm>>
      %dma_start3A_533 = arith.constant 0 : i32
      %dma_start3A_534 = arith.constant 0 : i32
      %dma_start3A_535 = tpu.memref_slice %arg15[%scan3A_70, %dma_start3A_533, %dma_start3A_534] : memref<2x16x1024xf32, #tpu.memory_space<vmem>> -> memref<1x16x1024xf32, #tpu.memory_space<vmem>>
      %dma_start3A_536 = tpu.memref_squeeze %dma_start3A_535 : memref<1x16x1024xf32, #tpu.memory_space<vmem>> -> memref<16x1024xf32, #tpu.memory_space<vmem>>
      tpu.enqueue_dma source(%dma_start3A_536 : memref<16x1024xf32, #tpu.memory_space<vmem>>) target(%dma_start3A_532 : memref<16x1024xf32, #tpu.memory_space<hbm>>) target_semaphore(%arg22 : memref<!tpu.dma_semaphore, #tpu.memory_space<semaphore_mem>>)
    }
    %scan3A_78 = arith.constant 16 : i32
    %rem3A_79 = arith.constant 31 : i32
    %rem3A_80 = arith.constant 4 : i32
    %rem3A_81 = arith.remsi %rem3A_79, %rem3A_80 : i32
    %mul3A_82 = arith.constant 4096 : i32
    %mul3A_83 = arith.muli %rem3A_81, %mul3A_82 : i32
    %add3A_84 = arith.addi %mul3A_83, %mul3A_2 : i32
    %add3A_85 = arith.constant 112 : i32
    %add3A_86 = arith.addi %add3A_84, %add3A_85 : i32
    %dma_wait3A = arith.constant 1 : i32
    %dma_wait3A_87 = arith.constant 0 : i32
    %dma_wait3A_88 = arith.constant 0 : i32
    %dma_wait3A_89 = tpu.memref_slice %arg15[%dma_wait3A, %dma_wait3A_87, %dma_wait3A_88] : memref<2x16x1024xf32, #tpu.memory_space<vmem>> -> memref<1x16x1024xf32, #tpu.memory_space<vmem>>
    %dma_wait3A_90 = tpu.memref_squeeze %dma_wait3A_89 : memref<1x16x1024xf32, #tpu.memory_space<vmem>> -> memref<16x1024xf32, #tpu.memory_space<vmem>>
    %dma_wait3A_91 = arith.constant 0 : i32
    %dma_wait3A_92 = tpu.memref_slice %arg10[%add3A_86, %dma_wait3A_91] : memref<16384x1024xf32, #tpu.memory_space<hbm>> -> memref<16x1024xf32, #tpu.memory_space<hbm>>
    %dma_wait3A_93 = arith.constant 0 : i32
    %dma_wait3A_94 = tpu.memref_slice %arg10[%add3A_86, %dma_wait3A_93] : memref<16384x1024xf32, #tpu.memory_space<hbm>> -> memref<16x1024xf32, #tpu.memory_space<hbm>>
    %dma_wait3A_95 = arith.constant 0 : i32
    %dma_wait3A_96 = arith.constant 0 : i32
    %dma_wait3A_97 = tpu.memref_slice %arg15[%dma_wait3A, %dma_wait3A_95, %dma_wait3A_96] : memref<2x16x1024xf32, #tpu.memory_space<vmem>> -> memref<1x16x1024xf32, #tpu.memory_space<vmem>>
    %dma_wait3A_98 = tpu.memref_squeeze %dma_wait3A_97 : memref<1x16x1024xf32, #tpu.memory_space<vmem>> -> memref<16x1024xf32, #tpu.memory_space<vmem>>
    tpu.wait_dma2 semaphore(%arg22 : memref<!tpu.dma_semaphore, #tpu.memory_space<semaphore_mem>>) src(%dma_wait3A_98 : memref<16x1024xf32, #tpu.memory_space<vmem>>) dst(%dma_wait3A_94 : memref<16x1024xf32, #tpu.memory_space<hbm>>)
    return
  }
}

</mosaic_0001>

<sc_bundles>
// kernel: _sc_fused_lookup.3.cloned.1.call-start
scs
__scs_entry_jumppad:
0x0: {  	(pc) =	sbr.rel $0x88, $3  }
0x1: {  	(tag) =	ssettag $0x0;
	lr =	simm.s32 $0x1  }
0x2: {  	[smem:$0x3F99] =	sst lr;
	_ =	strace $0xD0000000  }
0x3: {  	_ = 	snop  }
0x4: {  	_ = 	snop  }
0x5: {  	_ = 	snop  }
0x6: {  	_ = 	snop  }
0x7: {  	_ = 	snop  }
__scs_overlays_trampoline_lowered:
0x8: {  	[smem:$0x3FA8] =	sst s0  }
0x9: {  	[smem:$0x3FA9] =	sst s1  }
0xa: {  	[smem:$0x3FAA] =	sst s2  }
0xb: {  	[smem:$0x3FAB] =	sst s3  }
0xc: {  	[smem:$0x3FAC] =	sst s4  }
0xd: {  	[smem:$0x3FAD] =	sst s5  }
0xe: {  	[smem:$0x3FAE] =	sst s6  }
0xf: {  	[smem:$0x3FAF] =	sst s7  }
0x10: {  	[smem:$0x3FB0] =	sst s8  }
0x11: {  	[smem:$0x3FB1] =	sst s9;
	s0 =	simm.s32 @!p0 $0x0  }
0x12: {  	s1 =	sld [smem:$0x3F97];
	s0 =	simm.s32 @p0 $0x1  }
0x13: {  	[smem:$0x3FB2] =	sst s0;
	s0 =	simm.s32 @!p1 $0x0  }
0x14: {  	s2 =	sld [smem:$0x3F96];
	s0 =	simm.s32 @p1 $0x1  }
0x15: {  	[smem:$0x3FB3] =	sst s0;
	s0 =	simm.s32 @!p2 $0x0  }
0x16: {  	s3 =	sld [smem:$0x3FDB];
	s0 =	simm.s32 @p2 $0x1  }
0x17: {  	s4 =	simm.s32 $0x1BF5;
	[smem:$0x3FB5] =	sst s0  }
0x18: {  	s0 =	sld [smem:$0x3F98];
	_ =	swait.ge [sflag:s4], $0x0  }
0x19: {  	s7 =	sld [smem:$0x3F99]  }
0x1a: {  	s8 =	sadd.s32 $0xFFFFE003, lr  }
0x1b: {  	s9 =	sadd.s32 $0xFFFFFEF7, lr;
	s5 =	simm.s32 $0xFFFFFFFF;
	p2 =	slt.u32 s8, $0xFFFFF086  }
0x1c: {  	p1 =	slt.u32 s9, $0xF7A;
	s5 =	simm.s32 @!p2 $0x0  }
0x1d: {  	s5 =	simm.s32 @p1 $0x1;
	p0 =	seq.s32 s7, s2  }
0x1e: {  	s7 =	smul.u32 @!p0 $0xF7A, s2;
	p2 =	seq.s32 @!p0 s5, $0x0  }
0x1f: {  	s9 =	smul.u32 $0xF7A, s1;
	s8 =	simm.s32 @!p0 $0x1BF5;
	p2 =	por !p2, p0  }
0x20: {  	[sflag:s8] =	ssyncset.s32 @!p0 $0xFFFFF086;
	s6 =	sadd.s32 @!p0 s3, s7;
	s7 =	simm.s32 @!p0 $0x108  }
0x21: {  	s3 =	sadd.s32 s3, s9;
	s6 =	sadd.s32 @!p0 $0x88, s6;
	s7 =	simm.s32 @p2 $0x1082  }
0x22: {  	[simem:s7], [sflag:s8] =	dma.local @!p0 [hbm:s6], $0xF7A  }
0x23: {  	s9 =	sor.u32 $0xD0000000, s2;
	s6 =	simm.s32 $0x108;
	_ =	swait.ge @!p0 [sflag:s8], $0x0  }
0x24: {  	s3 =	sadd.s32 $0x88, s3;
	s6 =	simm.s32 @!p1 $0x1082;
	[sflag:s4] =	ssyncset.s32 $0xFFFFF086  }
0x25: {  	[simem:s6], [sflag:s4] =	dma.local [hbm:s3], $0xF7A  }
0x26: {  	[smem:$0x3F99] =	sst s1;
	(tag) =	ssettag s2;
	_ =	strace s9  }
0x27: {  	s1 =	sld [smem:$0x3FA9]  }
0x28: {  	s2 =	sld [smem:$0x3FAA]  }
0x29: {  	s4 =	sld [smem:$0x3FAC]  }
0x2a: {  	p0 =	seq.s32 s5, $0x0;
	s5 =	sld [smem:$0x3FAD]  }
0x2b: {  	s6 =	sld [smem:$0x3FAE]  }
0x2c: {  	s7 =	sld [smem:$0x3FAF]  }
0x2d: {  	s3 =	simm.s32 $0x108;
	s8 =	sld [smem:$0x3FB0]  }
0x2e: {  	s3 =	simm.s32 @!p0 $0x1082;
	s9 =	sld [smem:$0x3FB1]  }
0x2f: {  	lr =	sadd.s32 s0, s3;
	s0 =	sld [smem:$0x3FA8]  }
0x30: {  	s3 =	sld [smem:$0x3FAB]  }
0x31: {  	[smem:$0x3FB4] =	sst s10  }
0x32: {  	s10 =	sld [smem:$0x3FB2];
	_ =	sdelay $0x3  }
0x33: {  	p0 =	seq.s32 s10, $0x1;
	s10 =	sld [smem:$0x3FB4];
	_ =	sdelay $0x3  }
0x34: {  	[smem:$0x3FB4] =	sst s10  }
0x35: {  	s10 =	sld [smem:$0x3FB3];
	_ =	sdelay $0x3  }
0x36: {  	p1 =	seq.s32 s10, $0x1;
	s10 =	sld [smem:$0x3FB4];
	_ =	sdelay $0x3  }
0x37: {  	[smem:$0x3FB4] =	sst s10  }
0x38: {  	s10 =	sld [smem:$0x3FB5]  }
0x39: {  	_ = 	snop;
	(pc) =	sbr.ind lr, $3  }
0x3a: {  	_ = 	snop  }
0x3b: {  	_ = 	snop  }
0x3c: {  	p2 =	seq.s32 s10, $0x1;
	s10 =	sld [smem:$0x3FB4]  }
0x3d: {  	_ =	shalt  }
0x3e: {  	_ =	shalt  }
0x3f: {  	_ =	shalt  }
0x40: {  	_ =	shalt  }
0x41: {  	_ =	shalt  }
0x42: {  	_ =	shalt  }
0x43: {  	_ =	shalt  }
0x44: {  	_ =	shalt  }
0x45: {  	_ =	shalt  }
0x46: {  	_ =	shalt  }
0x47: {  	_ =	shalt  }
0x48: {  	_ =	shalt  }
0x49: {  	_ =	shalt  }
0x4a: {  	_ =	shalt  }
0x4b: {  	_ =	shalt  }
0x4c: {  	_ =	shalt  }
0x4d: {  	_ =	shalt  }
0x4e: {  	_ =	shalt  }
0x4f: {  	_ =	shalt  }
0x50: {  	_ =	shalt  }
0x51: {  	_ =	shalt  }
0x52: {  	_ =	shalt  }
0x53: {  	_ =	shalt  }
0x54: {  	_ =	shalt  }
0x55: {  	_ =	shalt  }
0x56: {  	_ =	shalt  }
0x57: {  	_ =	shalt  }
0x58: {  	_ =	shalt  }
0x59: {  	_ =	shalt  }
0x5a: {  	_ =	shalt  }
0x5b: {  	_ =	shalt  }
0x5c: {  	_ =	shalt  }
0x5d: {  	_ =	shalt  }
0x5e: {  	_ =	shalt  }
0x5f: {  	_ =	shalt  }
0x60: {  	_ =	shalt  }
0x61: {  	_ =	shalt  }
0x62: {  	_ =	shalt  }
0x63: {  	_ =	shalt  }
0x64: {  	_ =	shalt  }
0x65: {  	_ =	shalt  }
0x66: {  	_ =	shalt  }
0x67: {  	_ =	shalt  }
0x68: {  	_ =	shalt  }
0x69: {  	_ =	shalt  }
0x6a: {  	_ =	shalt  }
0x6b: {  	_ =	shalt  }
0x6c: {  	_ =	shalt  }
0x6d: {  	_ =	shalt  }
0x6e: {  	_ =	shalt  }
0x6f: {  	_ =	shalt  }
0x70: {  	_ =	shalt  }
0x71: {  	_ =	shalt  }
0x72: {  	_ =	shalt  }
0x73: {  	_ =	shalt  }
0x74: {  	_ =	shalt  }
0x75: {  	_ =	shalt  }
0x76: {  	_ =	shalt  }
0x77: {  	_ =	shalt  }
0x78: {  	_ =	shalt  }
0x79: {  	_ =	shalt  }
0x7a: {  	_ =	shalt  }
0x7b: {  	_ =	shalt  }
0x7c: {  	_ =	shalt  }
0x7d: {  	_ =	shalt  }
0x7e: {  	_ =	shalt  }
0x7f: {  	_ =	shalt  }
0x80: {  	_ =	shalt  }
0x81: {  	_ =	shalt  }
0x82: {  	_ =	shalt  }
0x83: {  	_ =	shalt  }
0x84: {  	_ =	shalt  }
0x85: {  	_ =	shalt  }
0x86: {  	_ =	shalt  }
0x87: {  	_ =	shalt  }
.Lfunc_end0:
.L_simem_size_0:
called_computation_lowered:
.L_overlay_start_0:
0x88: {  	s2 =	sld [smem:$0x3FD9]  }
0x89: {  	s3 =	sld [smem:$0x3FFE];
	_ =	sdelay $0x1  }
0x8a: {  	s1 =	srdreg.scid  }
0x8b: {  	s0 =	sand.u32 $0x1, s1  }
0x8c: {  	s17 =	sshll.u32 s0, $0xA;
	s2 =	sadd.s32 s3, s2  }
0x8d: {  	s2 =	sadd.s32 s2, s17  }
0x8e: {  	[smem:$0x3FC0] =	sst s2  }
0x8f: {  	_ = 	snop  }
0x90: {  	s2 =	sld [smem:$0x3FC6]  }
0x91: {  	s18 =	sld [smem:$0x3FC5]  }
0x92: {  	s4 =	sld [smem:$0x3FC4]  }
0x93: {  	s5 =	sld [smem:$0x3FC3]  }
0x94: {  	s6 =	sld [smem:$0x3FC2]  }
0x95: {  	s7 =	sld [smem:$0x3FD0];
	(tm) =	ssettm $0x1  }
0x96: {  	s8 =	sld [smem:$0x3FFB];
	_ =	sdelay $0x3  }
0x97: {  	_ =	strace s8  }
0x98: {  	s8 =	sld [smem:$0x3FFC];
	_ =	sdelay $0x3  }
0x99: {  	_ =	strace s8  }
0x9a: {  	s8 =	sld [smem:$0x3FFD];
	_ =	sdelay $0x3  }
0x9b: {  	_ =	strace s8  }
0x9c: {  	_ =	strace $0x8FFFFFFF  }
0x9d: {  	s19 =	sld [smem:$0x3FDB];
	_ =	sdelay $0x1  }
0x9e: {  	s9 =	simm.s32 $_scs_section_size  }
0x9f: {  	s10 =	simm.s32 $_size__tile_overlayer_lowered;
	s11 =	simm.s32 $_tile_overlayer_lowered  }
0xa0: {  	s22 =	simm.s32 $0x1BFF;
	s21 =	sshll.u32 s11, $0x1;
	s8 =	sadd.s32 s9, s19  }
0xa1: {  	s12 =	simm.s32 $0x0;
	s20 =	sshll.u32 s10, $0x1;
	s10 =	sadd.s32 s21, s8  }
0xa2: {  	[timem:s12], [sflag:s22] =	dma.local [hbm:s10], s20  }
0xa3: {  	_ =	swait.ge [sflag:s22], s20  }
0xa4: {  	s9 =	ssub.s32 $0x0, s20;
	[sflag:s22] =	ssyncset.done $0x0  }
0xa5: {  	[sflag:s22] =	ssyncadd.s32 s9;
	_ =	sdelay $0x1  }
0xa6: {  	s23 =	simm.s32 $0x1B8B  }
0xa7: {  	_ =	swait.ge [sflag:s23], $0x1  }
0xa8: {  	[sflag:s23] =	ssyncset.done $0x0  }
0xa9: {  	s25 =	simm.s32 $0x1B8E;
	s24 =	sld [smem:$0x3FFE];
	[sflag:s23] =	ssyncadd.s32 $0xFFFFFFFF  }
0xaa: {  	s26 =	simm.s32 $execute0_lowered;
	[smem:$0x3FD2] =	sst s25  }
0xab: {  	s10 =	sshll.u32 s26, $0x1;
	_ =	strace $0x80000046;
	[dreg:$0x1] =	wrdreg $0xFFFFFFFF  }
0xac: {  	s28 =	simm.s32 $_size_execute0_lowered;
	s8 =	sadd.s32 s8, s10;
	[dreg:$0x0] =	wrdreg $0x0  }
0xad: {  	s10 =	sshll.u32 s28, $0x1;
	[dreg:$0x2] =	wrdreg s8  }
0xae: {  	[dreg:$0x3] =	wrdreg s10  }
0xaf: {  	[dreg:$0x4] =	wrdreg $0xC0  }
0xb0: {  	_ =	task [dreg:s12], $0x5FFFF  }
0xb1: {  	[dreg:$0x1] =	wrdreg $0xFFFFFFFF  }
0xb2: {  	[dreg:$0x0] =	wrdreg $0x60  }
0xb3: {  	[dreg:$0x2] =	wrdreg s24  }
0xb4: {  	[dreg:$0x3] =	wrdreg s2  }
0xb5: {  	[dreg:$0x4] =	wrdreg s18  }
0xb6: {  	[dreg:$0x5] =	wrdreg s4  }
0xb7: {  	[dreg:$0x6] =	wrdreg s5  }
0xb8: {  	[dreg:$0x7] =	wrdreg s6  }
0xb9: {  	[dreg:$0x8] =	wrdreg s7  }
0xba: {  	[dreg:$0x9] =	wrdreg $0x9  }
0xbb: {  	_ =	task.clear_ibuf [dreg:s12], $0xAFFFF;
	_ =	strace $0x90000046  }
0xbc: {  	s29 =	simm.s32 $0x9;
	_ =	strace $0x80000048  }
0xbd: {  	_ =	swait.ge [sflag:s29], $0x1  }
0xbe: {  	[sflag:s29] =	ssyncadd.s32 $0xFFFFFFFF  }
0xbf: {  	_ =	strace $0x90000048  }
0xc0: {  	_ =	sfence  }
0xc1: {  	s30 =	sld [smem:$0x0];
	_ =	sdelay $0x2  }
0xc2: {  	s31 =	sshll.u32 s1, $0xD;
	s1 =	sshrl.u32 s1, $0x2  }
0xc3: {  	s3 =	sand.u32 $0x4000, s31;
	s1 =	sadd.s32 s1, s30  }
0xc4: {  	s0 =	sor.u32 s3, s0;
	s1 =	sshll.u32 s1, $0x11  }
0xc5: {  	s0 =	sor.u32 s1, s0  }
0xc6: {  	s0 =	sadd.s32 $0x8F2B, s0  }
0xc7: {  	[sflag:s0] =	ssyncadd.remote.s32 $0x1  }
0xc8: {  	_ =	sfence.sel $0xFFFF  }
0xc9: {  	[dreg:$0x0] =	wrdreg $0xFFFFFFFF;
	(pc) =	sbr.abs _section_cstart, $3  }
0xca: {  	[dreg:$0x1] =	wrdreg $0xFFFFFFFF  }
0xcb: {  	_ =	task.clear_ibuf [dreg:s12], $0x2FFFF;
	_ =	strace $0x9FFFFFFF  }
0xcc: {  	(tm) =	ssettm $0x7FFFFFFF  }
0xcd: {  	_ =	shalt  }
tec
execute0_lowered:
.L_overlay_start_1:
0x0: {  	(tag) =	ssettag $0x1  }
0x1: {  	s1 =	rddreg [dreg:$0x0]  }
0x2: {  	s3 =	rddreg [dreg:$0x1]  }
0x3: {  	s0 =	rddreg [dreg:$0x2]  }
0x4: {  	s2 =	rddreg [dreg:$0x3]  }
0x5: {  	s4 =	rddreg [dreg:$0x4]  }
0x6: {  	s5 =	rddreg [dreg:$0x6]  }
0x7: {  	s6 =	srdreg.scid;
	s8 =	stileid.u32;
	s30 =	simm.s32 $0x7000  }
0x8: {  	s28 =	simm.s32 $0xB000;
	s31 =	simm.s32 $0x1;
	s7 =	sand.u32 $0x1, s6  }
0x9: {  	s8 =	sshll.u32 s8, $0x1;
	s6 =	simm.s32 $0x0;
	s11 =	sadd.s32 $0x100, s2  }
0xa: {  	s12 =	sadd.s32 $0x200, s2;
	s13 =	sadd.s32 $0x300, s2;
	s14 =	sadd.s32 $0x100, s4  }
0xb: {  	s15 =	sadd.s32 $0x200, s4;
	s16 =	sadd.s32 $0x300, s4;
	s17 =	sadd.s32 $0x100, s0  }
0xc: {  	s18 =	sadd.s32 $0x200, s0;
	s19 =	sadd.s32 $0x300, s0;
	s8 =	sor.u32 s7, s8  }
0xd: {  	s7 =	ssub.s32 $0x2, s7;
	s9 =	sshll.u32 s8, $0x9;
	s8 =	sshll.u32 s8, $0xE  }
0xe: {  	[smem:$0x7FF] =	sst s6;
	s1 =	sadd.s32 s9, s1;
	s26 =	sadd.s32 s3, s8  }
0xf: {  	_ =	strace $0x80000047;
	s9 =	sadd.s32 $0x400, s1;
	[dreg:$0xb] =	wrdreg s26  }
0x10: {  	s10 =	sshrl.u32 s7, $0x1;
	s25 =	sadd.s32 $0x4400, s1;
	[dreg:$0x8] =	wrdreg s9  }
0x11: {  	s7 =	ssub.s32 s7, s10;
	s1 =	sadd.s32 $0x8400, s1;
	[dreg:$0x9] =	wrdreg s25  }
0x12: {  	v2 =	vlaneseq.u32;
	s20 =	sadd.s32 s5, s8;
	s29 =	smax.u32 s7, $0x1;
	[dreg:$0xa] =	wrdreg s1  }
0x13: {  	vm0 =	vmmov $0xffff;
	v1 =	vshrl.u32 v2, $0x3;
	s3 =	simm.s32 $0x2;
	s1 =	sadd.s32 $0x800, s26;
	[dreg:$0xd] =	wrdreg s29  }
0x14: {  	v0 =	vand.u32 $0x7, v2;
	v2 =	vor.u32 $0x8, v2;
	v1 =	vmul.u32 $0x8, v1;
	s8 =	simm.s32 $0x0;
	[dreg:$0xc] =	wrdreg s1;
	s1 =	simm.s32 $0x3  }
.LBB2_1:
0x15: {  	[dreg:$0xe] =	wrdreg s8  }
0x16: {  	s5 =	rddreg [dreg:$0x8];
	s7 =	simm.s32 $0x6  }
0x17: {  	[tilespmem:s6], [sflag:$0x6] =	stream.linear.gather [hbm4b:s5+s6], $0x1000, $0x38;
	[tilespmem:$0x1F200] =	vst v63  }
0x18: {  	_ =	swait.ge [sflag:s7], $0x1000  }
0x19: {  	[sflag:s7] =	ssyncset.done $0x0  }
0x1a: {  	s21 =	simm.s32 $0x1000;
	s10 =	rddreg [dreg:$0x9];
	[sflag:s7] =	ssyncadd.s32 $0xFFFFF000  }
0x1b: {  	[tilespmem:s21], [sflag:$0x6] =	stream.linear.gather [hbm4b:s10+s6], $0x1000, $0x38;
	[tilespmem:$0x1F200] =	vst v63  }
0x1c: {  	_ =	swait.ge [sflag:s7], $0x1000  }
0x1d: {  	[sflag:s7] =	ssyncset.done $0x0  }
0x1e: {  	s23 =	simm.s32 $0x2000;
	s22 =	rddreg [dreg:$0xa];
	[sflag:s7] =	ssyncadd.s32 $0xFFFFF000  }
0x1f: {  	[tilespmem:s23], [sflag:$0x6] =	stream.linear.gather [hbm4b:s22+s6], $0x1000, $0x38;
	[tilespmem:$0x1F200] =	vst v63  }
0x20: {  	_ =	swait.ge [sflag:s7], $0x1000  }
0x21: {  	[sflag:s7] =	ssyncset.done $0x0  }
0x22: {  	[sflag:s7] =	ssyncadd.s32 $0xFFFFF000  }
0x23: {  	s25 =	simm.s32 $0x1F000;
	s24 =	rddreg [dreg:$0x5]  }
0x24: {  	[tilespmem:s25], [sflag:$0x6] =	stream.linear.gather [hbm4b:s24+s6], $0x200, $0x38;
	[tilespmem:$0x1F200] =	vst v63  }
0x25: {  	_ =	swait.ge [sflag:s7], $0x200  }
0x26: {  	[sflag:s7] =	ssyncset.done $0x0  }
0x27: {  	[sflag:s7] =	ssyncadd.s32 $0xFFFFFE00  }
0x28: {  	v3 =	vld [tilespmem:$0x1F000]  }
0x29: {  	v4 =	vld [tilespmem:$0x1F080]  }
0x2a: {  	s29 =	simm.s32 $0x3000;
	s26 =	rddreg [dreg:$0xb];
	v5 =	vld [tilespmem:$0x1F100]  }
0x2b: {  	v6 =	vld [tilespmem:$0x1F180];
	[tilespmem:s29], [sflag:$0x5] =	stream.linear.gather [hbm4b:s26+s6], $0x4000, $0x38  }
0x2c: {  	v7 =	vld [tilespmem:$0x1000];
	_ =	sdelay $0x4  }
0x2d: {  	v8 =	vshll.u32 v7, $0x3  }
0x2e: {  	v7 =	vand.u32 $0x7, v7;
	v8 =	vand.u32 $0xFFFFFFC0, v8  }
0x2f: {  	v7 =	vor.u32 v7, v8  }
0x30: {  	v8 =	vperm.xlane v7, v0;
	_ =	sdelay $0x1  }
0x31: {  	v8 =	vadd.s32 v1, v8;
	_ =	sdelay $0x3  }
0x32: {  	s7 =	simm.s32 $0xF000  }
0x33: {  	[tilespmem:s7], [sflag:$0x1] =	stream.indirect_vreg.gather [hbm4b:s2+s6], $0x80, v8, vm0, $0xb8;
	[tilespmem:$0x1F200] =	vst v63  }
0x34: {  	s8 =	simm.s32 $0xF800;
	v7 =	vperm.xlane v7, v2  }
0x35: {  	[tilespmem:s8], [sflag:$0x1] =	stream.indirect_vreg.gather [hbm4b:s11+s6], $0x80, v8, vm0, $0xb8;
	[tilespmem:$0x1F200] =	vst v63  }
0x36: {  	s9 =	simm.s32 $0x10000;
	v7 =	vadd.s32 v1, v7  }
0x37: {  	[tilespmem:s9], [sflag:$0x1] =	stream.indirect_vreg.gather [hbm4b:s12+s6], $0x80, v8, vm0, $0xb8;
	[tilespmem:$0x1F200] =	vst v63  }
0x38: {  	s10 =	simm.s32 $0x10800  }
0x39: {  	[tilespmem:s10], [sflag:$0x1] =	stream.indirect_vreg.gather [hbm4b:s13+s6], $0x80, v8, vm0, $0xb8;
	[tilespmem:$0x1F200] =	vst v63  }
0x3a: {  	s21 =	simm.s32 $0x11000  }
0x3b: {  	[tilespmem:s21], [sflag:$0x1] =	stream.indirect_vreg.gather [hbm4b:s2+s6], $0x80, v7, vm0, $0xb8;
	[tilespmem:$0x1F200] =	vst v63  }
0x3c: {  	s22 =	simm.s32 $0x11800  }
0x3d: {  	[tilespmem:s22], [sflag:$0x1] =	stream.indirect_vreg.gather [hbm4b:s11+s6], $0x80, v7, vm0, $0xb8;
	[tilespmem:$0x1F200] =	vst v63  }
0x3e: {  	s23 =	simm.s32 $0x12000  }
0x3f: {  	[tilespmem:s23], [sflag:$0x1] =	stream.indirect_vreg.gather [hbm4b:s12+s6], $0x80, v7, vm0, $0xb8;
	[tilespmem:$0x1F200] =	vst v63  }
0x40: {  	s24 =	simm.s32 $0x12800  }
0x41: {  	[tilespmem:s24], [sflag:$0x1] =	stream.indirect_vreg.gather [hbm4b:s13+s6], $0x80, v7, vm0, $0xb8;
	[tilespmem:$0x1F200] =	vst v63  }
0x42: {  	v7 =	vld [tilespmem:$0x2000];
	_ =	sdelay $0x4  }
0x43: {  	v8 =	vshll.u32 v7, $0x3  }
0x44: {  	v7 =	vand.u32 $0x7, v7;
	v8 =	vand.u32 $0xFFFFFFC0, v8  }
0x45: {  	v7 =	vor.u32 v7, v8  }
0x46: {  	v8 =	vperm.xlane v7, v0;
	_ =	sdelay $0x1  }
0x47: {  	v8 =	vadd.s32 v1, v8;
	_ =	sdelay $0x3  }
0x48: {  	s25 =	simm.s32 $0x17000  }
0x49: {  	[tilespmem:s25], [sflag:$0x1] =	stream.indirect_vreg.gather [hbm4b:s4+s6], $0x80, v8, vm0, $0xb8;
	[tilespmem:$0x1F200] =	vst v63  }
0x4a: {  	s26 =	simm.s32 $0x17800;
	v7 =	vperm.xlane v7, v2  }
0x4b: {  	[tilespmem:s26], [sflag:$0x1] =	stream.indirect_vreg.gather [hbm4b:s14+s6], $0x80, v8, vm0, $0xb8;
	[tilespmem:$0x1F200] =	vst v63  }
0x4c: {  	s29 =	simm.s32 $0x18000;
	v7 =	vadd.s32 v1, v7  }
0x4d: {  	[tilespmem:s29], [sflag:$0x1] =	stream.indirect_vreg.gather [hbm4b:s15+s6], $0x80, v8, vm0, $0xb8;
	[tilespmem:$0x1F200] =	vst v63  }
0x4e: {  	s7 =	simm.s32 $0x18800  }
0x4f: {  	[tilespmem:s7], [sflag:$0x1] =	stream.indirect_vreg.gather [hbm4b:s16+s6], $0x80, v8, vm0, $0xb8;
	[tilespmem:$0x1F200] =	vst v63  }
0x50: {  	s8 =	simm.s32 $0x19000  }
0x51: {  	[tilespmem:s8], [sflag:$0x1] =	stream.indirect_vreg.gather [hbm4b:s4+s6], $0x80, v7, vm0, $0xb8;
	[tilespmem:$0x1F200] =	vst v63  }
0x52: {  	s9 =	simm.s32 $0x19800  }
0x53: {  	[tilespmem:s9], [sflag:$0x1] =	stream.indirect_vreg.gather [hbm4b:s14+s6], $0x80, v7, vm0, $0xb8;
	[tilespmem:$0x1F200] =	vst v63  }
0x54: {  	s10 =	simm.s32 $0x1A000  }
0x55: {  	[tilespmem:s10], [sflag:$0x1] =	stream.indirect_vreg.gather [hbm4b:s15+s6], $0x80, v7, vm0, $0xb8;
	[tilespmem:$0x1F200] =	vst v63  }
0x56: {  	s21 =	simm.s32 $0x1A800  }
0x57: {  	[tilespmem:s21], [sflag:$0x1] =	stream.indirect_vreg.gather [hbm4b:s16+s6], $0x80, v7, vm0, $0xb8;
	[tilespmem:$0x1F200] =	vst v63  }
0x58: {  	v7 =	vld [tilespmem:$0x0];
	_ =	sdelay $0x4  }
0x59: {  	v8 =	vshll.u32 v7, $0x3  }
0x5a: {  	v7 =	vand.u32 $0x7, v7;
	v8 =	vand.u32 $0xFFFFFFC0, v8  }
0x5b: {  	v7 =	vor.u32 v7, v8  }
0x5c: {  	v8 =	vperm.xlane v7, v0;
	_ =	sdelay $0x1  }
0x5d: {  	v8 =	vadd.s32 v1, v8;
	_ =	sdelay $0x4  }
0x5e: {  	[tilespmem:s30], [sflag:$0x1] =	stream.indirect_vreg.gather [hbm4b:s0+s6], $0x80, v8, vm0, $0xb8;
	[tilespmem:$0x1F200] =	vst v63  }
0x5f: {  	s22 =	simm.s32 $0x7800;
	v7 =	vperm.xlane v7, v2  }
0x60: {  	[tilespmem:s22], [sflag:$0x1] =	stream.indirect_vreg.gather [hbm4b:s17+s6], $0x80, v8, vm0, $0xb8;
	[tilespmem:$0x1F200] =	vst v63  }
0x61: {  	s23 =	simm.s32 $0x8000;
	v7 =	vadd.s32 v1, v7  }
0x62: {  	[tilespmem:s23], [sflag:$0x1] =	stream.indirect_vreg.gather [hbm4b:s18+s6], $0x80, v8, vm0, $0xb8;
	[tilespmem:$0x1F200] =	vst v63  }
0x63: {  	s24 =	simm.s32 $0x8800  }
0x64: {  	[tilespmem:s24], [sflag:$0x1] =	stream.indirect_vreg.gather [hbm4b:s19+s6], $0x80, v8, vm0, $0xb8;
	[tilespmem:$0x1F200] =	vst v63  }
0x65: {  	s25 =	simm.s32 $0x9000  }
0x66: {  	[tilespmem:s25], [sflag:$0x1] =	stream.indirect_vreg.gather [hbm4b:s0+s6], $0x80, v7, vm0, $0xb8;
	[tilespmem:$0x1F200] =	vst v63  }
0x67: {  	s26 =	simm.s32 $0x9800  }
0x68: {  	[tilespmem:s26], [sflag:$0x1] =	stream.indirect_vreg.gather [hbm4b:s17+s6], $0x80, v7, vm0, $0xb8;
	[tilespmem:$0x1F200] =	vst v63  }
0x69: {  	s29 =	simm.s32 $0xA000  }
0x6a: {  	[tilespmem:s29], [sflag:$0x1] =	stream.indirect_vreg.gather [hbm4b:s18+s6], $0x80, v7, vm0, $0xb8;
	[tilespmem:$0x1F200] =	vst v63  }
0x6b: {  	s5 =	simm.s32 $0x0;
	s30 =	simm.s32 $0xA800  }
0x6c: {  	[tilespmem:s30], [sflag:$0x1] =	stream.indirect_vreg.gather [hbm4b:s19+s6], $0x80, v7, vm0, $0xb8;
	[tilespmem:$0x1F200] =	vst v63  }
.LBB2_2:
0x6d: {  	s7 =	sshll.u32 s5, $0x1  }
0x6e: {  	s26 =	sand.u32 $0x2, s7  }
0x6f: {  	s25 =	sshrl.u32 s5, $0x1;
	s24 =	sor.u32 $0x1, s26  }
0x70: {  	s9 =	sshll.u32 s25, $0x7;
	s8 =	sshll.u32 s24, $0xA  }
0x71: {  	s8 =	sadd.s32 s9, s8  }
0x72: {  	v7 =	vld [tilespmem:s8+$0x1000];
	_ =	sdelay $0x4  }
0x73: {  	v8 =	vshll.u32 v7, $0x3  }
0x74: {  	v7 =	vand.u32 $0x7, v7;
	v8 =	vand.u32 $0xFFFFFFC0, v8  }
0x75: {  	v7 =	vor.u32 v7, v8  }
0x76: {  	v8 =	vperm.xlane v7, v0;
	_ =	sdelay $0x1  }
0x77: {  	v8 =	vadd.s32 v1, v8;
	_ =	sdelay $0x3  }
0x78: {  	s22 =	simm.s32 $0x13000  }
0x79: {  	[tilespmem:s22], [sflag:$0x2] =	stream.indirect_vreg.gather [hbm4b:s2+s6], $0x80, v8, vm0, $0xb8;
	[tilespmem:$0x1F200] =	vst v63  }
0x7a: {  	s23 =	simm.s32 $0x13800;
	v7 =	vperm.xlane v7, v2  }
0x7b: {  	[tilespmem:s23], [sflag:$0x2] =	stream.indirect_vreg.gather [hbm4b:s11+s6], $0x80, v8, vm0, $0xb8;
	[tilespmem:$0x1F200] =	vst v63  }
0x7c: {  	s29 =	simm.s32 $0x14000;
	v7 =	vadd.s32 v1, v7  }
0x7d: {  	[tilespmem:s29], [sflag:$0x2] =	stream.indirect_vreg.gather [hbm4b:s12+s6], $0x80, v8, vm0, $0xb8;
	[tilespmem:$0x1F200] =	vst v63  }
0x7e: {  	s30 =	simm.s32 $0x14800  }
0x7f: {  	[tilespmem:s30], [sflag:$0x2] =	stream.indirect_vreg.gather [hbm4b:s13+s6], $0x80, v8, vm0, $0xb8;
	[tilespmem:$0x1F200] =	vst v63  }
0x80: {  	s10 =	simm.s32 $0x15000  }
0x81: {  	[tilespmem:s10], [sflag:$0x2] =	stream.indirect_vreg.gather [hbm4b:s2+s6], $0x80, v7, vm0, $0xb8;
	[tilespmem:$0x1F200] =	vst v63  }
0x82: {  	s21 =	simm.s32 $0x15800  }
0x83: {  	[tilespmem:s21], [sflag:$0x2] =	stream.indirect_vreg.gather [hbm4b:s11+s6], $0x80, v7, vm0, $0xb8;
	[tilespmem:$0x1F200] =	vst v63  }
0x84: {  	s22 =	simm.s32 $0x16000  }
0x85: {  	[tilespmem:s22], [sflag:$0x2] =	stream.indirect_vreg.gather [hbm4b:s12+s6], $0x80, v7, vm0, $0xb8;
	[tilespmem:$0x1F200] =	vst v63  }
0x86: {  	s23 =	simm.s32 $0x16800  }
0x87: {  	[tilespmem:s23], [sflag:$0x2] =	stream.indirect_vreg.gather [hbm4b:s13+s6], $0x80, v7, vm0, $0xb8;
	[tilespmem:$0x1F200] =	vst v63  }
0x88: {  	v7 =	vld [tilespmem:s8+$0x2000];
	_ =	sdelay $0x4  }
0x89: {  	v8 =	vshll.u32 v7, $0x3  }
0x8a: {  	v7 =	vand.u32 $0x7, v7;
	v8 =	vand.u32 $0xFFFFFFC0, v8  }
0x8b: {  	v7 =	vor.u32 v7, v8  }
0x8c: {  	v8 =	vperm.xlane v7, v0;
	_ =	sdelay $0x1  }
0x8d: {  	v8 =	vadd.s32 v1, v8;
	_ =	sdelay $0x3  }
0x8e: {  	s29 =	simm.s32 $0x1B000  }
0x8f: {  	[tilespmem:s29], [sflag:$0x2] =	stream.indirect_vreg.gather [hbm4b:s4+s6], $0x80, v8, vm0, $0xb8;
	[tilespmem:$0x1F200] =	vst v63  }
0x90: {  	s30 =	simm.s32 $0x1B800;
	v7 =	vperm.xlane v7, v2  }
0x91: {  	[tilespmem:s30], [sflag:$0x2] =	stream.indirect_vreg.gather [hbm4b:s14+s6], $0x80, v8, vm0, $0xb8;
	[tilespmem:$0x1F200] =	vst v63  }
0x92: {  	s10 =	simm.s32 $0x1C000;
	v7 =	vadd.s32 v1, v7  }
0x93: {  	[tilespmem:s10], [sflag:$0x2] =	stream.indirect_vreg.gather [hbm4b:s15+s6], $0x80, v8, vm0, $0xb8;
	[tilespmem:$0x1F200] =	vst v63  }
0x94: {  	s21 =	simm.s32 $0x1C800  }
0x95: {  	[tilespmem:s21], [sflag:$0x2] =	stream.indirect_vreg.gather [hbm4b:s16+s6], $0x80, v8, vm0, $0xb8;
	[tilespmem:$0x1F200] =	vst v63  }
0x96: {  	s22 =	simm.s32 $0x1D000  }
0x97: {  	[tilespmem:s22], [sflag:$0x2] =	stream.indirect_vreg.gather [hbm4b:s4+s6], $0x80, v7, vm0, $0xb8;
	[tilespmem:$0x1F200] =	vst v63  }
0x98: {  	s23 =	simm.s32 $0x1D800  }
0x99: {  	[tilespmem:s23], [sflag:$0x2] =	stream.indirect_vreg.gather [hbm4b:s14+s6], $0x80, v7, vm0, $0xb8;
	[tilespmem:$0x1F200] =	vst v63  }
0x9a: {  	p0 =	seq.s32 s5, $0x0;
	s29 =	simm.s32 $0x1E000  }
0x9b: {  	[tilespmem:s29], [sflag:$0x2] =	stream.indirect_vreg.gather [hbm4b:s15+s6], $0x80, v7, vm0, $0xb8;
	[tilespmem:$0x1F200] =	vst v63  }
0x9c: {  	s9 =	simm.s32 @!p0 $0x4;
	s30 =	simm.s32 $0x1E800  }
0x9d: {  	[tilespmem:s30], [sflag:$0x2] =	stream.indirect_vreg.gather [hbm4b:s16+s6], $0x80, v7, vm0, $0xb8;
	[tilespmem:$0x1F200] =	vst v63  }
0x9e: {  	_ =	swait.ge @!p0 [sflag:s9], $0x4000  }
0x9f: {  	[sflag:s9] =	ssyncset.done @!p0 $0x0  }
0xa0: {  	[sflag:s9] =	ssyncadd.s32 @!p0 $0xFFFFC000  }
0xa1: {  	v7 =	vld [tilespmem:s8+$0x0];
	_ =	sdelay $0x4  }
0xa2: {  	v8 =	vshll.u32 v7, $0x3  }
0xa3: {  	v7 =	vand.u32 $0x7, v7;
	v8 =	vand.u32 $0xFFFFFFC0, v8  }
0xa4: {  	v7 =	vor.u32 v7, v8  }
0xa5: {  	v8 =	vperm.xlane v7, v0;
	_ =	sdelay $0x1  }
0xa6: {  	v8 =	vadd.s32 v1, v8;
	_ =	sdelay $0x4  }
0xa7: {  	[tilespmem:s28], [sflag:$0x2] =	stream.indirect_vreg.gather [hbm4b:s0+s6], $0x80, v8, vm0, $0xb8;
	[tilespmem:$0x1F200] =	vst v63  }
0xa8: {  	s9 =	simm.s32 $0xB800;
	v7 =	vperm.xlane v7, v2  }
0xa9: {  	[tilespmem:s9], [sflag:$0x2] =	stream.indirect_vreg.gather [hbm4b:s17+s6], $0x80, v8, vm0, $0xb8;
	[tilespmem:$0x1F200] =	vst v63  }
0xaa: {  	s10 =	simm.s32 $0xC000;
	v7 =	vadd.s32 v1, v7  }
0xab: {  	[tilespmem:s10], [sflag:$0x2] =	stream.indirect_vreg.gather [hbm4b:s18+s6], $0x80, v8, vm0, $0xb8;
	[tilespmem:$0x1F200] =	vst v63  }
0xac: {  	s21 =	simm.s32 $0xC800  }
0xad: {  	[tilespmem:s21], [sflag:$0x2] =	stream.indirect_vreg.gather [hbm4b:s19+s6], $0x80, v8, vm0, $0xb8;
	[tilespmem:$0x1F200] =	vst v63  }
0xae: {  	s22 =	simm.s32 $0xD000  }
0xaf: {  	[tilespmem:s22], [sflag:$0x2] =	stream.indirect_vreg.gather [hbm4b:s0+s6], $0x80, v7, vm0, $0xb8;
	[tilespmem:$0x1F200] =	vst v63  }
0xb0: {  	s23 =	simm.s32 $0xD800  }
0xb1: {  	[tilespmem:s23], [sflag:$0x2] =	stream.indirect_vreg.gather [hbm4b:s17+s6], $0x80, v7, vm0, $0xb8;
	[tilespmem:$0x1F200] =	vst v63  }
0xb2: {  	s29 =	simm.s32 $0xE000;
	p0 =	sne.s32 s26, $0x0  }
0xb3: {  	[tilespmem:s29], [sflag:$0x2] =	stream.indirect_vreg.gather [hbm4b:s18+s6], $0x80, v7, vm0, $0xb8;
	[tilespmem:$0x1F200] =	vst v63  }
0xb4: {  	s30 =	simm.s32 $0xE800;
	s8 =	simm.s32 @!p0 $0x5  }
0xb5: {  	[tilespmem:s30], [sflag:$0x2] =	stream.indirect_vreg.gather [hbm4b:s19+s6], $0x80, v7, vm0, $0xb8;
	[tilespmem:$0x1F200] =	vst v63  }
0xb6: {  	_ =	swait.ge @!p0 [sflag:s8], $0x4000  }
0xb7: {  	[sflag:s8] =	ssyncset.done @!p0 $0x0  }
0xb8: {  	[sflag:s8] =	ssyncadd.s32 @!p0 $0xFFFFC000  }
0xb9: {  	_ =	swait.ge [sflag:s31], $0x4000  }
0xba: {  	[sflag:s31] =	ssyncset.done $0x0  }
0xbb: {  	[sflag:s31] =	ssyncadd.s32 $0xFFFFC000  }
0xbc: {  	_ =	swait.ge [sflag:s31], $0x4000  }
0xbd: {  	[sflag:s31] =	ssyncset.done $0x0  }
0xbe: {  	[sflag:s31] =	ssyncadd.s32 $0xFFFFC000  }
0xbf: {  	_ =	swait.ge [sflag:s31], $0x4000  }
0xc0: {  	[sflag:s31] =	ssyncset.done $0x0  }
0xc1: {  	s9 =	simm.s32 $0x0;
	s8 =	simm.s32 $0x0;
	[sflag:s31] =	ssyncadd.s32 $0xFFFFC000  }
.LBB2_3:
0xc2: {  	s10 =	sshll.u32 s9, $0xA;
	s22 =	sshll.u32 s9, $0x7  }
0xc3: {  	s10 =	sand.u32 $0x2000, s10;
	s22 =	sand.u32 $0x380, s22  }
0xc4: {  	s29 =	sand.u32 $0x40, s8;
	s10 =	sor.u32 s10, s22  }
0xc5: {  	s23 =	sand.u32 $0x1C00, s8;
	s22 =	sor.u32 s29, s10  }
0xc6: {  	s22 =	sor.u32 s23, s22  }
0xc7: {  	v8 =	vld [tilespmem:s22+$0x17000]  }
0xc8: {  	v10 =	vld [tilespmem:s22+$0x17010]  }
0xc9: {  	v11 =	vld [tilespmem:s22+$0xF000]  }
0xca: {  	v13 =	vld [tilespmem:s22+$0xF010]  }
0xcb: {  	v14 =	vld [tilespmem:s22+$0x3000]  }
0xcc: {  	v12 =	vld [tilespmem:s22+$0x3010]  }
0xcd: {  	v9 =	vld [tilespmem:s22+$0x3020]  }
0xce: {  	v7 =	vld [tilespmem:s22+$0x3030]  }
0xcf: {  	s30 =	simm.s32 $0x0;
	s23 =	simm.s32 $0x40;
	v15 =	vld [tilespmem:s22+$0x7000]  }
.LBB2_4:
0xd0: {  	p0 =	sne.s32 s23, $0x3C0;
	v16 =	vld [tilespmem:s22+$0x7010]  }
0xd1: {  	v17 =	vld [tilespmem:s22+$0x7020]  }
0xd2: {  	v18 =	vmul.f32 v8, v6;
	v19 =	vmul.f32 v10, v6;
	v10 =	vld [tilespmem:s22+$0x7030]  }
0xd3: {  	v11 =	vmul.f32 v11, v5;
	v13 =	vmul.f32 v13, v5;
	v20 =	vld [tilespmem:s22+$0xF020]  }
0xd4: {  	s29 =	sand.u32 $0x40, s23;
	v8 =	vmul.f32 v14, v3;
	s30 =	sadd.s32 $0x200, s30;
	v14 =	vmul.f32 v15, v4;
	v15 =	vld [tilespmem:s22+$0xF030]  }
0xd5: {  	s21 =	sand.u32 $0x1C00, s30;
	s29 =	sor.u32 s29, s10;
	v12 =	vmul.f32 v12, v3;
	v16 =	vmul.f32 v16, v4;
	v21 =	vld [tilespmem:s22+$0x17020]  }
0xd6: {  	s21 =	sor.u32 s21, s29;
	v9 =	vmul.f32 v9, v3;
	v14 =	vadd.f32 v14, v8;
	v17 =	vmul.f32 v17, v4;
	v22 =	vld [tilespmem:s22+$0x17030]  }
0xd7: {  	v7 =	vmul.f32 v7, v3;
	v8 =	vld [tilespmem:s21+$0x17000];
	v12 =	vadd.f32 v16, v12;
	v16 =	vmul.f32 v10, v4  }
0xd8: {  	v10 =	vld [tilespmem:s21+$0x17010];
	v14 =	vadd.f32 v11, v14;
	v9 =	vadd.f32 v17, v9;
	v17 =	vmul.f32 v20, v5  }
0xd9: {  	v11 =	vld [tilespmem:s21+$0xF000];
	v12 =	vadd.f32 v13, v12;
	v7 =	vadd.f32 v16, v7;
	v15 =	vmul.f32 v15, v5  }
0xda: {  	v13 =	vld [tilespmem:s21+$0xF010];
	v16 =	vadd.f32 v18, v14;
	v9 =	vadd.f32 v17, v9;
	v17 =	vmul.f32 v21, v6  }
.Ltmp0:
0xdb: {  	v14 =	vld [tilespmem:s21+$0x3000];
	v18 =	vadd.f32 v19, v12;
	v7 =	vadd.f32 v15, v7;
	v15 =	vmul.f32 v22, v6;
	(pc) =	sbr.rel @p0 .LBB2_4-.Ltmp0, $4  }
0xdc: {  	v12 =	vld [tilespmem:s21+$0x3010];
	[tilespmem:s22+$0x7000] =	vst v16;
	v16 =	vadd.f32 v17, v9  }
0xdd: {  	v9 =	vld [tilespmem:s21+$0x3020];
	[tilespmem:s22+$0x7010] =	vst v18;
	v17 =	vadd.f32 v15, v7  }
0xde: {  	v7 =	vld [tilespmem:s21+$0x3030];
	[tilespmem:s22+$0x7020] =	vst v16  }
0xdf: {  	s23 =	sadd.s32 $0x40, s23;
	v15 =	vld [tilespmem:s21+$0x7000];
	[tilespmem:s22+$0x7030] =	vst v17;
	s22 =	smov.u32 s21  }
0xe0: {  	v16 =	vld [tilespmem:s22+$0x7010]  }
0xe1: {  	v18 =	vld [tilespmem:s22+$0x7030]  }
0xe2: {  	v17 =	vld [tilespmem:s22+$0x7020];
	v8 =	vmul.f32 v8, v6;
	v10 =	vmul.f32 v10, v6  }
0xe3: {  	v11 =	vmul.f32 v11, v5;
	v13 =	vmul.f32 v13, v5;
	v20 =	vld [tilespmem:s22+$0xF030]  }
0xe4: {  	v19 =	vld [tilespmem:s22+$0xF020];
	v14 =	vmul.f32 v14, v3;
	v15 =	vmul.f32 v15, v4  }
0xe5: {  	v58 =	vld [tilespmem:s22+$0x17030];
	v12 =	vmul.f32 v12, v3;
	v16 =	vmul.f32 v16, v4  }
0xe6: {  	v21 =	vld [tilespmem:s22+$0x17020];
	v7 =	vmul.f32 v7, v3;
	v59 =	vmul.f32 v18, v4;
	v14 =	vadd.f32 v15, v14  }
0xe7: {  	v9 =	vmul.f32 v9, v3;
	v57 =	vmul.f32 v17, v4;
	v12 =	vadd.f32 v16, v12  }
0xe8: {  	v61 =	vmul.f32 v20, v5;
	v7 =	vadd.f32 v59, v7;
	v11 =	vadd.f32 v11, v14  }
0xe9: {  	s9 =	sadd.s32 $0x1, s9;
	v60 =	vmul.f32 v19, v5;
	v9 =	vadd.f32 v57, v9;
	v12 =	vadd.f32 v13, v12  }
0xea: {  	p0 =	sne.s32 s9, $0x10;
	v63 =	vmul.f32 v58, v6;
	v7 =	vadd.f32 v61, v7;
	v8 =	vadd.f32 v8, v11  }
.Ltmp1:
0xeb: {  	v62 =	vmul.f32 v21, v6;
	v9 =	vadd.f32 v60, v9;
	v10 =	vadd.f32 v10, v12;
	(pc) =	sbr.rel @p0 .LBB2_3-.Ltmp1, $4  }
0xec: {  	v7 =	vadd.f32 v63, v7;
	[tilespmem:s22+$0x7000] =	vst v8  }
0xed: {  	v8 =	vadd.f32 v62, v9;
	[tilespmem:s22+$0x7010] =	vst v10  }
0xee: {  	[tilespmem:s22+$0x7030] =	vst v7  }
0xef: {  	[tilespmem:s22+$0x7020] =	vst v8  }
0xf0: {  	p0 =	seq.s32 s5, $0xF  }
.Ltmp2:
0xf1: {  	s8 =	sshll.u32 s5, $0xA;
	(pc) =	sbr.rel @!p0 .LBB2_7-.Ltmp2, $4  }
0xf2: {  	s8 =	sand.u32 $0x3800, s8  }
0xf3: {  	s9 =	sshll.u32 s26, $0x13;
	s8 =	sadd.s32 s8, s20  }
0xf4: {  	s30 =	simm.s32 $0x7000;
	s8 =	sadd.s32 s9, s8  }
0xf5: {  	[hbm4b:s8+s6] =	stream.linear.scatter [tilespmem:s30], [sflag:$0x3], $0x4000, $0x38;
	[tilespmem:$0x1F200] =	vst v63  }
.Ltmp3:
0xf6: {  	(pc) =	sbr.rel .LBB2_9-.Ltmp3, $4  }
0xf7: {  	_ = 	snop  }
0xf8: {  	_ =	swait.ge [sflag:s1], $0x4000  }
0xf9: {  	[sflag:s1] =	ssyncset.done $0x0  }
0xfa: {  	[sflag:s1] =	ssyncadd.s32 $0xFFFFC000  }
.LBB2_7:
0xfb: {  	s7 =	sadd.s32 $0x2, s7  }
0xfc: {  	s8 =	sshll.u32 s7, $0xA;
	s7 =	sshll.u32 s7, $0x5  }
0xfd: {  	s8 =	sand.u32 $0x800, s8;
	s7 =	sand.u32 $0x780, s7  }
0xfe: {  	s7 =	sor.u32 s7, s8  }
0xff: {  	v7 =	vld [tilespmem:s7+$0x1000];
	_ =	sdelay $0x4  }
0x100: {  	v8 =	vshll.u32 v7, $0x3  }
0x101: {  	v7 =	vand.u32 $0x7, v7;
	v8 =	vand.u32 $0xFFFFFFC0, v8  }
0x102: {  	v7 =	vor.u32 v7, v8  }
0x103: {  	v8 =	vperm.xlane v7, v0;
	_ =	sdelay $0x1  }
0x104: {  	v8 =	vadd.s32 v1, v8;
	_ =	sdelay $0x3  }
0x105: {  	s21 =	simm.s32 $0xF000  }
0x106: {  	[tilespmem:s21], [sflag:$0x1] =	stream.indirect_vreg.gather [hbm4b:s2+s6], $0x80, v8, vm0, $0xb8;
	[tilespmem:$0x1F200] =	vst v63  }
0x107: {  	s22 =	simm.s32 $0xF800;
	v7 =	vperm.xlane v7, v2  }
0x108: {  	[tilespmem:s22], [sflag:$0x1] =	stream.indirect_vreg.gather [hbm4b:s11+s6], $0x80, v8, vm0, $0xb8;
	[tilespmem:$0x1F200] =	vst v63  }
0x109: {  	s23 =	simm.s32 $0x10000;
	v7 =	vadd.s32 v1, v7  }
0x10a: {  	[tilespmem:s23], [sflag:$0x1] =	stream.indirect_vreg.gather [hbm4b:s12+s6], $0x80, v8, vm0, $0xb8;
	[tilespmem:$0x1F200] =	vst v63  }
0x10b: {  	s29 =	simm.s32 $0x10800  }
0x10c: {  	[tilespmem:s29], [sflag:$0x1] =	stream.indirect_vreg.gather [hbm4b:s13+s6], $0x80, v8, vm0, $0xb8;
	[tilespmem:$0x1F200] =	vst v63  }
0x10d: {  	s9 =	simm.s32 $0x11000  }
0x10e: {  	[tilespmem:s9], [sflag:$0x1] =	stream.indirect_vreg.gather [hbm4b:s2+s6], $0x80, v7, vm0, $0xb8;
	[tilespmem:$0x1F200] =	vst v63  }
0x10f: {  	s10 =	simm.s32 $0x11800  }
0x110: {  	[tilespmem:s10], [sflag:$0x1] =	stream.indirect_vreg.gather [hbm4b:s11+s6], $0x80, v7, vm0, $0xb8;
	[tilespmem:$0x1F200] =	vst v63  }
0x111: {  	s21 =	simm.s32 $0x12000  }
0x112: {  	[tilespmem:s21], [sflag:$0x1] =	stream.indirect_vreg.gather [hbm4b:s12+s6], $0x80, v7, vm0, $0xb8;
	[tilespmem:$0x1F200] =	vst v63  }
0x113: {  	s22 =	simm.s32 $0x12800  }
0x114: {  	[tilespmem:s22], [sflag:$0x1] =	stream.indirect_vreg.gather [hbm4b:s13+s6], $0x80, v7, vm0, $0xb8;
	[tilespmem:$0x1F200] =	vst v63  }
0x115: {  	v7 =	vld [tilespmem:s7+$0x2000];
	_ =	sdelay $0x4  }
0x116: {  	v8 =	vshll.u32 v7, $0x3  }
0x117: {  	v7 =	vand.u32 $0x7, v7;
	v8 =	vand.u32 $0xFFFFFFC0, v8  }
0x118: {  	v7 =	vor.u32 v7, v8  }
0x119: {  	v8 =	vperm.xlane v7, v0;
	_ =	sdelay $0x1  }
0x11a: {  	v8 =	vadd.s32 v1, v8;
	_ =	sdelay $0x3  }
0x11b: {  	s23 =	simm.s32 $0x17000  }
0x11c: {  	[tilespmem:s23], [sflag:$0x1] =	stream.indirect_vreg.gather [hbm4b:s4+s6], $0x80, v8, vm0, $0xb8;
	[tilespmem:$0x1F200] =	vst v63  }
0x11d: {  	s29 =	simm.s32 $0x17800;
	v7 =	vperm.xlane v7, v2  }
0x11e: {  	[tilespmem:s29], [sflag:$0x1] =	stream.indirect_vreg.gather [hbm4b:s14+s6], $0x80, v8, vm0, $0xb8;
	[tilespmem:$0x1F200] =	vst v63  }
0x11f: {  	s9 =	simm.s32 $0x18000;
	v7 =	vadd.s32 v1, v7  }
0x120: {  	[tilespmem:s9], [sflag:$0x1] =	stream.indirect_vreg.gather [hbm4b:s15+s6], $0x80, v8, vm0, $0xb8;
	[tilespmem:$0x1F200] =	vst v63  }
0x121: {  	s10 =	simm.s32 $0x18800  }
0x122: {  	[tilespmem:s10], [sflag:$0x1] =	stream.indirect_vreg.gather [hbm4b:s16+s6], $0x80, v8, vm0, $0xb8;
	[tilespmem:$0x1F200] =	vst v63  }
0x123: {  	s21 =	simm.s32 $0x19000  }
0x124: {  	[tilespmem:s21], [sflag:$0x1] =	stream.indirect_vreg.gather [hbm4b:s4+s6], $0x80, v7, vm0, $0xb8;
	[tilespmem:$0x1F200] =	vst v63  }
0x125: {  	s22 =	simm.s32 $0x19800  }
0x126: {  	[tilespmem:s22], [sflag:$0x1] =	stream.indirect_vreg.gather [hbm4b:s14+s6], $0x80, v7, vm0, $0xb8;
	[tilespmem:$0x1F200] =	vst v63  }
0x127: {  	s23 =	simm.s32 $0x1A000  }
0x128: {  	[tilespmem:s23], [sflag:$0x1] =	stream.indirect_vreg.gather [hbm4b:s15+s6], $0x80, v7, vm0, $0xb8;
	[tilespmem:$0x1F200] =	vst v63  }
0x129: {  	s29 =	simm.s32 $0x1A800  }
0x12a: {  	[tilespmem:s29], [sflag:$0x1] =	stream.indirect_vreg.gather [hbm4b:s16+s6], $0x80, v7, vm0, $0xb8;
	[tilespmem:$0x1F200] =	vst v63  }
0x12b: {  	_ =	swait.ge [sflag:s1], $0x4000  }
0x12c: {  	[sflag:s1] =	ssyncset.done $0x0  }
0x12d: {  	[sflag:s1] =	ssyncadd.s32 $0xFFFFC000  }
0x12e: {  	v7 =	vld [tilespmem:s7+$0x0];
	_ =	sdelay $0x4  }
0x12f: {  	v8 =	vshll.u32 v7, $0x3  }
0x130: {  	v7 =	vand.u32 $0x7, v7;
	v8 =	vand.u32 $0xFFFFFFC0, v8  }
0x131: {  	v7 =	vor.u32 v7, v8  }
0x132: {  	v8 =	vperm.xlane v7, v0;
	_ =	sdelay $0x1  }
0x133: {  	v8 =	vadd.s32 v1, v8;
	_ =	sdelay $0x4  }
0x134: {  	[tilespmem:s30], [sflag:$0x1] =	stream.indirect_vreg.gather [hbm4b:s0+s6], $0x80, v8, vm0, $0xb8;
	[tilespmem:$0x1F200] =	vst v63  }
0x135: {  	s8 =	simm.s32 $0x7800;
	v7 =	vperm.xlane v7, v2  }
0x136: {  	[tilespmem:s8], [sflag:$0x1] =	stream.indirect_vreg.gather [hbm4b:s17+s6], $0x80, v8, vm0, $0xb8;
	[tilespmem:$0x1F200] =	vst v63  }
0x137: {  	s9 =	simm.s32 $0x8000;
	v7 =	vadd.s32 v1, v7  }
0x138: {  	[tilespmem:s9], [sflag:$0x1] =	stream.indirect_vreg.gather [hbm4b:s18+s6], $0x80, v8, vm0, $0xb8;
	[tilespmem:$0x1F200] =	vst v63  }
0x139: {  	s10 =	simm.s32 $0x8800  }
0x13a: {  	[tilespmem:s10], [sflag:$0x1] =	stream.indirect_vreg.gather [hbm4b:s19+s6], $0x80, v8, vm0, $0xb8;
	[tilespmem:$0x1F200] =	vst v63  }
0x13b: {  	s21 =	simm.s32 $0x9000  }
0x13c: {  	[tilespmem:s21], [sflag:$0x1] =	stream.indirect_vreg.gather [hbm4b:s0+s6], $0x80, v7, vm0, $0xb8;
	[tilespmem:$0x1F200] =	vst v63  }
0x13d: {  	s22 =	simm.s32 $0x9800  }
0x13e: {  	[tilespmem:s22], [sflag:$0x1] =	stream.indirect_vreg.gather [hbm4b:s17+s6], $0x80, v7, vm0, $0xb8;
	[tilespmem:$0x1F200] =	vst v63  }
0x13f: {  	s23 =	simm.s32 $0xA000  }
0x140: {  	[tilespmem:s23], [sflag:$0x1] =	stream.indirect_vreg.gather [hbm4b:s18+s6], $0x80, v7, vm0, $0xb8;
	[tilespmem:$0x1F200] =	vst v63  }
0x141: {  	s29 =	simm.s32 $0xA800  }
0x142: {  	[tilespmem:s29], [sflag:$0x1] =	stream.indirect_vreg.gather [hbm4b:s19+s6], $0x80, v7, vm0, $0xb8;
	[tilespmem:$0x1F200] =	vst v63  }
.LBB2_9:
0x143: {  	_ =	swait.ge [sflag:s3], $0x4000  }
0x144: {  	[sflag:s3] =	ssyncset.done $0x0  }
0x145: {  	[sflag:s3] =	ssyncadd.s32 $0xFFFFC000  }
0x146: {  	_ =	swait.ge [sflag:s3], $0x4000  }
0x147: {  	[sflag:s3] =	ssyncset.done $0x0  }
0x148: {  	[sflag:s3] =	ssyncadd.s32 $0xFFFFC000  }
0x149: {  	_ =	swait.ge [sflag:s3], $0x4000  }
0x14a: {  	[sflag:s3] =	ssyncset.done $0x0  }
0x14b: {  	s7 =	simm.s32 $0x0;
	s8 =	simm.s32 $0x0;
	[sflag:s3] =	ssyncadd.s32 $0xFFFFC000  }
.LBB2_10:
0x14c: {  	s9 =	sshll.u32 s8, $0xA;
	s10 =	sshll.u32 s8, $0x7  }
0x14d: {  	s9 =	sand.u32 $0x2000, s9;
	s10 =	sand.u32 $0x380, s10  }
0x14e: {  	s29 =	sand.u32 $0x40, s7;
	s10 =	sor.u32 s9, s10  }
0x14f: {  	s21 =	sand.u32 $0x1C00, s7;
	s9 =	sor.u32 s29, s10  }
0x150: {  	s9 =	sor.u32 s21, s9  }
0x151: {  	v8 =	vld [tilespmem:s9+$0x1B000]  }
0x152: {  	v10 =	vld [tilespmem:s9+$0x1B010]  }
0x153: {  	v11 =	vld [tilespmem:s9+$0x13000]  }
0x154: {  	v13 =	vld [tilespmem:s9+$0x13010]  }
0x155: {  	v14 =	vld [tilespmem:s9+$0x3000]  }
0x156: {  	v12 =	vld [tilespmem:s9+$0x3010]  }
0x157: {  	v9 =	vld [tilespmem:s9+$0x3020]  }
0x158: {  	v7 =	vld [tilespmem:s9+$0x3030]  }
0x159: {  	s22 =	simm.s32 $0x40;
	s23 =	simm.s32 $0x0;
	v15 =	vld [tilespmem:s9+$0xB000]  }
.LBB2_11:
0x15a: {  	p0 =	sne.s32 s22, $0x3C0;
	v16 =	vld [tilespmem:s9+$0xB010]  }
0x15b: {  	v17 =	vld [tilespmem:s9+$0xB020]  }
0x15c: {  	v18 =	vmul.f32 v8, v6;
	v19 =	vmul.f32 v10, v6;
	v10 =	vld [tilespmem:s9+$0xB030]  }
0x15d: {  	v11 =	vmul.f32 v11, v5;
	v13 =	vmul.f32 v13, v5;
	v20 =	vld [tilespmem:s9+$0x13020]  }
0x15e: {  	s21 =	sand.u32 $0x40, s22;
	v8 =	vmul.f32 v14, v3;
	s23 =	sadd.s32 $0x200, s23;
	v14 =	vmul.f32 v15, v4;
	v15 =	vld [tilespmem:s9+$0x13030]  }
0x15f: {  	s29 =	sand.u32 $0x1C00, s23;
	s21 =	sor.u32 s21, s10;
	v12 =	vmul.f32 v12, v3;
	v16 =	vmul.f32 v16, v4;
	v21 =	vld [tilespmem:s9+$0x1B020]  }
0x160: {  	s21 =	sor.u32 s29, s21;
	v9 =	vmul.f32 v9, v3;
	v14 =	vadd.f32 v14, v8;
	v17 =	vmul.f32 v17, v4;
	v22 =	vld [tilespmem:s9+$0x1B030]  }
0x161: {  	v7 =	vmul.f32 v7, v3;
	v8 =	vld [tilespmem:s21+$0x1B000];
	v12 =	vadd.f32 v16, v12;
	v16 =	vmul.f32 v10, v4  }
0x162: {  	v10 =	vld [tilespmem:s21+$0x1B010];
	v14 =	vadd.f32 v11, v14;
	v9 =	vadd.f32 v17, v9;
	v17 =	vmul.f32 v20, v5  }
0x163: {  	v11 =	vld [tilespmem:s21+$0x13000];
	v12 =	vadd.f32 v13, v12;
	v7 =	vadd.f32 v16, v7;
	v15 =	vmul.f32 v15, v5  }
0x164: {  	v13 =	vld [tilespmem:s21+$0x13010];
	v16 =	vadd.f32 v18, v14;
	v9 =	vadd.f32 v17, v9;
	v17 =	vmul.f32 v21, v6  }
.Ltmp4:
0x165: {  	v14 =	vld [tilespmem:s21+$0x3000];
	v18 =	vadd.f32 v19, v12;
	v7 =	vadd.f32 v15, v7;
	v15 =	vmul.f32 v22, v6;
	(pc) =	sbr.rel @p0 .LBB2_11-.Ltmp4, $4  }
0x166: {  	v12 =	vld [tilespmem:s21+$0x3010];
	[tilespmem:s9+$0xB000] =	vst v16;
	v16 =	vadd.f32 v17, v9  }
0x167: {  	v9 =	vld [tilespmem:s21+$0x3020];
	[tilespmem:s9+$0xB010] =	vst v18;
	v17 =	vadd.f32 v15, v7  }
0x168: {  	v7 =	vld [tilespmem:s21+$0x3030];
	[tilespmem:s9+$0xB020] =	vst v16  }
0x169: {  	s22 =	sadd.s32 $0x40, s22;
	v15 =	vld [tilespmem:s21+$0xB000];
	[tilespmem:s9+$0xB030] =	vst v17;
	s9 =	smov.u32 s21  }
0x16a: {  	v16 =	vld [tilespmem:s9+$0xB010]  }
0x16b: {  	v18 =	vld [tilespmem:s9+$0xB030]  }
0x16c: {  	v17 =	vld [tilespmem:s9+$0xB020];
	v8 =	vmul.f32 v8, v6;
	v10 =	vmul.f32 v10, v6  }
0x16d: {  	v11 =	vmul.f32 v11, v5;
	v13 =	vmul.f32 v13, v5;
	v20 =	vld [tilespmem:s9+$0x13030]  }
0x16e: {  	v19 =	vld [tilespmem:s9+$0x13020];
	v14 =	vmul.f32 v14, v3;
	v15 =	vmul.f32 v15, v4  }
0x16f: {  	v58 =	vld [tilespmem:s9+$0x1B030];
	v12 =	vmul.f32 v12, v3;
	v16 =	vmul.f32 v16, v4  }
0x170: {  	v21 =	vld [tilespmem:s9+$0x1B020];
	v7 =	vmul.f32 v7, v3;
	v59 =	vmul.f32 v18, v4;
	v14 =	vadd.f32 v15, v14  }
0x171: {  	v9 =	vmul.f32 v9, v3;
	v57 =	vmul.f32 v17, v4;
	v12 =	vadd.f32 v16, v12  }
0x172: {  	v61 =	vmul.f32 v20, v5;
	v7 =	vadd.f32 v59, v7;
	v11 =	vadd.f32 v11, v14  }
0x173: {  	s8 =	sadd.s32 $0x1, s8;
	v60 =	vmul.f32 v19, v5;
	v9 =	vadd.f32 v57, v9;
	v12 =	vadd.f32 v13, v12  }
0x174: {  	p0 =	sne.s32 s8, $0x10;
	v63 =	vmul.f32 v58, v6;
	v7 =	vadd.f32 v61, v7;
	v8 =	vadd.f32 v8, v11  }
.Ltmp5:
0x175: {  	v62 =	vmul.f32 v21, v6;
	v9 =	vadd.f32 v60, v9;
	v10 =	vadd.f32 v10, v12;
	(pc) =	sbr.rel @p0 .LBB2_10-.Ltmp5, $4  }
0x176: {  	v7 =	vadd.f32 v63, v7;
	[tilespmem:s9+$0xB000] =	vst v8  }
0x177: {  	v8 =	vadd.f32 v62, v9;
	[tilespmem:s9+$0xB010] =	vst v10  }
0x178: {  	[tilespmem:s9+$0xB030] =	vst v7  }
0x179: {  	[tilespmem:s9+$0xB020] =	vst v8  }
0x17a: {  	p0 =	sgt.u32 s5, $0xD  }
0x17b: {  	s7 =	sshll.u32 s25, $0xB;
	p1 =	seq.s32 @!p0 s26, $0x0  }
0x17c: {  	s8 =	rddreg [dreg:$0xc];
	s5 =	sadd.s32 $0x1, s5;
	p0 =	por p1, p0  }
0x17d: {  	s8 =	sadd.s32 @!p0 s7, s8;
	s9 =	simm.s32 @!p0 $0x0;
	s10 =	simm.s32 @!p0 $0x3000  }
0x17e: {  	[tilespmem:s10], [sflag:$0x5] =	stream.linear.gather @!p0 [hbm4b:s8+s9], $0x4000, $0x38;
	[tilespmem:$0x1F200] =	vst v63  }
0x17f: {  	p0 =	sne.s32 s5, $0x10  }
.Ltmp6:
0x180: {  	_ = 	snop;
	(pc) =	sbr.rel @p0 .LBB2_2-.Ltmp6, $4  }
0x181: {  	_ = 	snop  }
0x182: {  	s29 =	sshll.u32 s24, $0x13;
	s7 =	sadd.s32 s7, s20  }
0x183: {  	s7 =	sadd.s32 s29, s7  }
0x184: {  	[hbm4b:s7+s6] =	stream.linear.scatter [tilespmem:s28], [sflag:$0x4], $0x4000, $0x38;
	[tilespmem:$0x1F200] =	vst v63  }
0x185: {  	s7 =	simm.s32 $0x4  }
0x186: {  	_ =	swait.ge [sflag:s7], $0x4000  }
0x187: {  	s8 =	rddreg [dreg:$0xe]  }
0x188: {  	s5 =	rddreg [dreg:$0xd];
	s8 =	sadd.s32 $0x1, s8  }
0x189: {  	p0 =	sne.s32 s8, s5  }
.Ltmp7:
0x18a: {  	_ = 	snop;
	(pc) =	sbr.rel @p0 .LBB2_1-.Ltmp7, $3  }
0x18b: {  	_ =	sdelay $0x1  }
0x18c: {  	[sflag:s7] =	ssyncset.done $0x0  }
0x18d: {  	[sflag:s7] =	ssyncadd.s32 $0xFFFFC000  }
0x18e: {  	_ =	sfence.sel $0x180000  }
0x18f: {  	[bflag:$0x0] =	sbarrier.arrive $0xFFFF  }
0x190: {  	_ =	strace $0x90000047  }
0x191: {  	s0 =	stileid.u32;
	[bflag:$0x2] =	sbarrier.arrive $0xFFFF  }
0x192: {  	p0 =	sne.s32 s0, $0x0;
	s0 =	rddreg [dreg:$0x7]  }
0x193: {  	s0 =	sadd.s32 @!p0 $0x100000, s0  }
0x194: {  	[sflag:s0] =	ssyncadd.tile.s32 @!p0 $0x1;
	_ =	shalt  }
.Lfunc_end2:
_tile_overlayer_lowered:
.L_overlay_start_2:
0x195: {  	(tag) =	ssettag $0x2  }
0x196: {  	s0 =	rddreg [dreg:$0x0];
	s2 =	stileid.u32  }
0x197: {  	s1 =	rddreg [dreg:$0x1];
	p0 =	sne.s32 s2, $0x0  }
0x198: {  	s3 =	rddreg [dreg:$0x2];
	[bflag:$0x3] =	sbarrier.arrive $0xFFFF;
	s2 =	simm.s32 @!p0 $0x1C06  }
0x199: {  	[timem:s3], [sflag:s2] =	dma.local @!p0 [hbm:s0], s1  }
0x19a: {  	s0 =	simm.s32 @!p0 $0x6  }
0x19b: {  	_ =	swait.ge @!p0 [sflag:s0], s1  }
0x19c: {  	s1 =	ssub.s32 @!p0 $0x0, s1;
	[sflag:s0] =	ssyncset.done @!p0 $0x0  }
0x19d: {  	[sflag:s0] =	ssyncadd.s32 @!p0 s1  }
0x19e: {  	[bflag:$0x3] =	sbarrier.arrive $0xFFFF  }
0x19f: {  	_ =	shalt  }

</sc_bundles>
